<compile_context>
chip_gen: v7x
topology: tpu7x:2x2x1
jax: 0.10.2.dev20260603
libtpu: 0.0.44.dev20260713+nightly
codegen_flags: <defaults>
</compile_context>

<pallas_src>
import functools

import jax
import jax.numpy as jnp
from jax import lax
from jax.experimental import pallas as pl
from jax.experimental.pallas import tpu as pltpu
from jax.experimental.pallas import tpu_sc as plsc

B = 16384
DIM = 64
V = 1000000
WR = 512
KSH = 977
H = KSH * WR
CR = H
NC = 2
NS = 16
NW = NC * NS
BPW = B // NW
CHUNK = 128
NCH = BPW // CHUNK
NPASS = 2
RPP = BPW // NPASS


def _detile_body(lo_ref, hi_ref, out_ref):
    out_ref[:, 0:DIM] = lo_ref[...].T
    out_ref[:, DIM:2 * DIM] = hi_ref[...].T


def _detile(tblT):
    return pl.pallas_call(
        _detile_body,
        grid=(KSH,),
        in_specs=[
            pl.BlockSpec((DIM, WR), lambda i: (0, i)),
            pl.BlockSpec((DIM, WR), lambda i: (0, i + KSH)),
        ],
        out_specs=pl.BlockSpec((WR, 2 * DIM), lambda i: (i, 0)),
        out_shape=jax.ShapeDtypeStruct((CR, 2 * DIM), jnp.float32),
    )(tblT, tblT)


_mesh = plsc.VectorSubcoreMesh(
    core_axis_name="c", subcore_axis_name="s", num_cores=NC, num_subcores=NS)


@functools.partial(
    pl.kernel,
    out_type=jax.ShapeDtypeStruct((B,), jnp.float32),
    mesh=_mesh,
    compiler_params=pltpu.CompilerParams(
        needs_layout_passes=False, use_tc_tiling_on_sc=True),
    scratch_types=[
        pltpu.VMEM((3, NCH, CHUNK), jnp.int32),
        pltpu.VMEM((3, BPW // 16, 16), jnp.int32),
        pltpu.VMEM((RPP, 2 * DIM), jnp.float32),
        pltpu.VMEM((RPP, 2 * DIM), jnp.float32),
        pltpu.VMEM((RPP, 2 * DIM), jnp.float32),
        pltpu.VMEM((16,), jnp.float32),
        pltpu.VMEM((BPW,), jnp.float32),
        pltpu.SemaphoreType.DMA,
    ],
)
def _score(xi_hbm, xh_hbm, ent_hbm, rel_hbm, wb_hbm, out_hbm,
           idx_v, hsel_v, h_v, r_v, t_v, wb_v, out_v, sem):
    wid = lax.axis_index("s") * NC + lax.axis_index("c")
    base = wid * BPW

    pltpu.sync_copy(xi_hbm.at[wid], idx_v)
    pltpu.sync_copy(xh_hbm.at[wid], hsel_v)
    pltpu.sync_copy(wb_hbm, wb_v)

    wbv = wb_v[...]
    w = wbv[0]
    b0 = wbv[1]

    for p in range(NPASS):
        copies = []
        for cc in range(NCH // NPASS):
            c = p * (NCH // NPASS) + cc
            dst = pl.ds(cc * CHUNK, CHUNK)
            copies.append(pltpu.async_copy(
                ent_hbm.at[idx_v.at[0, c]], h_v.at[dst], sem))
            copies.append(pltpu.async_copy(
                rel_hbm.at[idx_v.at[1, c]], r_v.at[dst], sem))
            copies.append(pltpu.async_copy(
                ent_hbm.at[idx_v.at[2, c]], t_v.at[dst], sem))
        for cp in copies:
            cp.wait()

        def blk_body(i, carry):
            rows = lax.iota(jnp.int32, 16) + (i - p * (RPP // 16)) * 16
            sh = hsel_v[0, i]
            sr = hsel_v[1, i]
            st = hsel_v[2, i]

            def d_body(dd, acc):
                cols = jnp.full((16,), dd, jnp.int32)
                hv = plsc.load_gather(h_v, [rows, cols + sh])
                rv = plsc.load_gather(r_v, [rows, cols + sr])
                tv = plsc.load_gather(t_v, [rows, cols + st])
                return acc + rv * (hv * tv)

            acc = lax.fori_loop(0, DIM, d_body, jnp.zeros((16,), jnp.float32))
            z = acc * w + b0
            out_v[pl.ds(i * 16, 16)] = 1.0 / (1.0 + jnp.exp(-z))
            return carry

        lax.fori_loop(p * (RPP // 16), (p + 1) * (RPP // 16), blk_body, 0)

    pltpu.sync_copy(out_v, out_hbm.at[pl.ds(base, BPW)])


def kernel(x, ent_embed, rel_embed, lin_w, lin_b):
    ent2 = _detile(ent_embed.T)
    rel2 = _detile(rel_embed.T)
    xi32 = x.astype(jnp.int32)
    row = jnp.where(xi32 < H, xi32, xi32 - H)
    half = jnp.where(xi32 < H, 0, DIM).astype(jnp.int32)
    xi = row.T.reshape(3, NW, NCH, CHUNK).transpose(1, 0, 2, 3)
    xh = half.T.reshape(3, NW, BPW // 16, 16).transpose(1, 0, 2, 3)
    wb = jnp.zeros((16,), jnp.float32).at[0].set(lin_w[0, 0]).at[1].set(lin_b[0])
    return _score(xi, xh, ent2, rel2, wb)

# --- scband reference (transcript-rebuilt; emitter-appended) ---
"""Pipeline reference for scband-ukge-52664888984272 (READ-ONLY COPY).

The authoritative reference and input builder live on the scoring server;
editing this copy changes nothing except your own understanding.
"""

import jax, jax.numpy as jnp
import numpy as np

NUM_ENTS = 1000000
NUM_RELS = 1000000
DIM = 64
B = 16384


def setup_inputs(seed: int = 0) -> dict:
    key = jax.random.key(seed)
    k1, k2, k3, k4, k5 = jax.random.split(key, 5)
    x = jax.random.randint(k1, (B, 3), 0, NUM_ENTS)
    ent_embed = jax.random.normal(k2, (NUM_ENTS, DIM), dtype=jnp.float32) * 0.02
    rel_embed = jax.random.normal(k3, (NUM_RELS, DIM), dtype=jnp.float32) * 0.02
    lin_w = jax.random.normal(k4, (1, 1), dtype=jnp.float32)
    lin_b = jax.random.normal(k5, (1,), dtype=jnp.float32)
    return {"x": x, "ent_embed": ent_embed, "rel_embed": rel_embed, "lin_w": lin_w, "lin_b": lin_b}


def reference(x, ent_embed, rel_embed, lin_w, lin_b):
    h = jnp.take(ent_embed, x[:, 0], axis=0)
    r = jnp.take(rel_embed, x[:, 1], axis=0)
    t = jnp.take(ent_embed, x[:, 2], axis=0)
    p_score = (r * (h * t)).sum(-1, keepdims=True)  # [B, 1]
    lin_out = p_score @ lin_w.T + lin_b  # Linear(1,1)
    confidence = 1.0 / (1.0 + jnp.exp(-lin_out.squeeze()))  # logistic_map
    return confidence

if __name__ == "__main__":
    import jax
    _d = setup_inputs()
    print(jax.jit(kernel)(*tuple(_d.values())))

</pallas_src>

<mosaic_0001>
#map = affine_map<(d0, d1) -> (0, 0, 0, 0)>
#map1 = affine_map<(d0, d1) -> (0, 0)>
#map2 = affine_map<(d0, d1) -> (0)>
module attributes {stable_mosaic.version = 14 : i64} {
  func.func @_score(%arg0: i32, %arg1: i32, %arg2: memref<32x3x4x128xi32, #tpu.memory_space<hbm>>, %arg3: memref<32x3x32x16xi32, #tpu.memory_space<hbm>>, %arg4: memref<500224x128xf32, #tpu.memory_space<hbm>>, %arg5: memref<500224x128xf32, #tpu.memory_space<hbm>>, %arg6: memref<16xf32, #tpu.memory_space<hbm>>, %arg7: memref<16384xf32, #tpu.memory_space<hbm>>, %arg8: memref<3x4x128xi32, #tpu.memory_space<vmem>>, %arg9: memref<3x32x16xi32, #tpu.memory_space<vmem>>, %arg10: memref<256x128xf32, #tpu.memory_space<vmem>>, %arg11: memref<256x128xf32, #tpu.memory_space<vmem>>, %arg12: memref<256x128xf32, #tpu.memory_space<vmem>>, %arg13: memref<16xf32, #tpu.memory_space<vmem>>, %arg14: memref<512xf32, #tpu.memory_space<vmem>>, %arg15: memref<!tpu.dma_semaphore, #tpu.memory_space<semaphore_mem>>) attributes {dimension_semantics = [#tpu.dimension_semantics<core_parallel>, #tpu.dimension_semantics<subcore_parallel>], iteration_bounds = array<i64: 2, 16>, scalar_prefetch = 0 : i64, scratch_operands = 8 : i64, tpu.core_type = #tpu.core_type<sc_vector_subcore>, window_params = [{transform_indices = #map}, {transform_indices = #map}, {transform_indices = #map1}, {transform_indices = #map1}, {transform_indices = #map2}, {transform_indices = #map2}]} {
    %mul3A = arith.constant 2 : i32
    %mul3A_0 = arith.muli %arg1, %mul3A : i32
    %add3A = arith.addi %mul3A_0, %arg0 : i32
    %mul3A_1 = arith.constant 512 : i32
    %mul3A_2 = arith.muli %add3A, %mul3A_1 : i32
    "tpu.region"() ({
      %run_scoped3A = tpu.sem_alloc : memref<!tpu.dma_semaphore, #tpu.memory_space<semaphore_mem>>
      %dma_start3A_279 = arith.constant 0 : i32
      %dma_start3A_280 = arith.constant 0 : i32
      %dma_start3A_281 = arith.constant 0 : i32
      %dma_start3A_282 = tpu.memref_slice %arg2[%add3A, %dma_start3A_279, %dma_start3A_280, %dma_start3A_281] : memref<32x3x4x128xi32, #tpu.memory_space<hbm>> -> memref<1x3x4x128xi32, #tpu.memory_space<hbm>>
      %dma_start3A_283 = tpu.memref_squeeze %dma_start3A_282 : memref<1x3x4x128xi32, #tpu.memory_space<hbm>> -> memref<3x4x128xi32, #tpu.memory_space<hbm>>
      %dma_start3A_284 = arith.constant 0 : i32
      %dma_start3A_285 = arith.constant 0 : i32
      %dma_start3A_286 = arith.constant 0 : i32
      %dma_start3A_287 = tpu.memref_slice %arg2[%add3A, %dma_start3A_284, %dma_start3A_285, %dma_start3A_286] : memref<32x3x4x128xi32, #tpu.memory_space<hbm>> -> memref<1x3x4x128xi32, #tpu.memory_space<hbm>>
      %dma_start3A_288 = tpu.memref_squeeze %dma_start3A_287 : memref<1x3x4x128xi32, #tpu.memory_space<hbm>> -> memref<3x4x128xi32, #tpu.memory_space<hbm>>
      tpu.enqueue_dma source(%dma_start3A_288 : memref<3x4x128xi32, #tpu.memory_space<hbm>>) target(%arg8 : memref<3x4x128xi32, #tpu.memory_space<vmem>>) target_semaphore(%run_scoped3A : memref<!tpu.dma_semaphore, #tpu.memory_space<semaphore_mem>>)
      %dma_wait3A_289 = arith.constant 0 : i32
      %dma_wait3A_290 = arith.constant 0 : i32
      %dma_wait3A_291 = arith.constant 0 : i32
      %dma_wait3A_292 = tpu.memref_slice %arg2[%add3A, %dma_wait3A_289, %dma_wait3A_290, %dma_wait3A_291] : memref<32x3x4x128xi32, #tpu.memory_space<hbm>> -> memref<1x3x4x128xi32, #tpu.memory_space<hbm>>
      %dma_wait3A_293 = tpu.memref_squeeze %dma_wait3A_292 : memref<1x3x4x128xi32, #tpu.memory_space<hbm>> -> memref<3x4x128xi32, #tpu.memory_space<hbm>>
      %dma_wait3A_294 = arith.constant 0 : i32
      %dma_wait3A_295 = arith.constant 0 : i32
      %dma_wait3A_296 = arith.constant 0 : i32
      %dma_wait3A_297 = tpu.memref_slice %arg2[%add3A, %dma_wait3A_294, %dma_wait3A_295, %dma_wait3A_296] : memref<32x3x4x128xi32, #tpu.memory_space<hbm>> -> memref<1x3x4x128xi32, #tpu.memory_space<hbm>>
      %dma_wait3A_298 = tpu.memref_squeeze %dma_wait3A_297 : memref<1x3x4x128xi32, #tpu.memory_space<hbm>> -> memref<3x4x128xi32, #tpu.memory_space<hbm>>
      tpu.wait_dma2 semaphore(%run_scoped3A : memref<!tpu.dma_semaphore, #tpu.memory_space<semaphore_mem>>) src(%dma_wait3A_298 : memref<3x4x128xi32, #tpu.memory_space<hbm>>) dst(%arg8 : memref<3x4x128xi32, #tpu.memory_space<vmem>>)
      tpu.yield
    }) : () -> ()
    "tpu.region"() ({
      %run_scoped3A = tpu.sem_alloc : memref<!tpu.dma_semaphore, #tpu.memory_space<semaphore_mem>>
      %dma_start3A_279 = arith.constant 0 : i32
      %dma_start3A_280 = arith.constant 0 : i32
      %dma_start3A_281 = arith.constant 0 : i32
      %dma_start3A_282 = tpu.memref_slice %arg3[%add3A, %dma_start3A_279, %dma_start3A_280, %dma_start3A_281] : memref<32x3x32x16xi32, #tpu.memory_space<hbm>> -> memref<1x3x32x16xi32, #tpu.memory_space<hbm>>
      %dma_start3A_283 = tpu.memref_squeeze %dma_start3A_282 : memref<1x3x32x16xi32, #tpu.memory_space<hbm>> -> memref<3x32x16xi32, #tpu.memory_space<hbm>>
      %dma_start3A_284 = arith.constant 0 : i32
      %dma_start3A_285 = arith.constant 0 : i32
      %dma_start3A_286 = arith.constant 0 : i32
      %dma_start3A_287 = tpu.memref_slice %arg3[%add3A, %dma_start3A_284, %dma_start3A_285, %dma_start3A_286] : memref<32x3x32x16xi32, #tpu.memory_space<hbm>> -> memref<1x3x32x16xi32, #tpu.memory_space<hbm>>
      %dma_start3A_288 = tpu.memref_squeeze %dma_start3A_287 : memref<1x3x32x16xi32, #tpu.memory_space<hbm>> -> memref<3x32x16xi32, #tpu.memory_space<hbm>>
      tpu.enqueue_dma source(%dma_start3A_288 : memref<3x32x16xi32, #tpu.memory_space<hbm>>) target(%arg9 : memref<3x32x16xi32, #tpu.memory_space<vmem>>) target_semaphore(%run_scoped3A : memref<!tpu.dma_semaphore, #tpu.memory_space<semaphore_mem>>)
      %dma_wait3A_289 = arith.constant 0 : i32
      %dma_wait3A_290 = arith.constant 0 : i32
      %dma_wait3A_291 = arith.constant 0 : i32
      %dma_wait3A_292 = tpu.memref_slice %arg3[%add3A, %dma_wait3A_289, %dma_wait3A_290, %dma_wait3A_291] : memref<32x3x32x16xi32, #tpu.memory_space<hbm>> -> memref<1x3x32x16xi32, #tpu.memory_space<hbm>>
      %dma_wait3A_293 = tpu.memref_squeeze %dma_wait3A_292 : memref<1x3x32x16xi32, #tpu.memory_space<hbm>> -> memref<3x32x16xi32, #tpu.memory_space<hbm>>
      %dma_wait3A_294 = arith.constant 0 : i32
      %dma_wait3A_295 = arith.constant 0 : i32
      %dma_wait3A_296 = arith.constant 0 : i32
      %dma_wait3A_297 = tpu.memref_slice %arg3[%add3A, %dma_wait3A_294, %dma_wait3A_295, %dma_wait3A_296] : memref<32x3x32x16xi32, #tpu.memory_space<hbm>> -> memref<1x3x32x16xi32, #tpu.memory_space<hbm>>
      %dma_wait3A_298 = tpu.memref_squeeze %dma_wait3A_297 : memref<1x3x32x16xi32, #tpu.memory_space<hbm>> -> memref<3x32x16xi32, #tpu.memory_space<hbm>>
      tpu.wait_dma2 semaphore(%run_scoped3A : memref<!tpu.dma_semaphore, #tpu.memory_space<semaphore_mem>>) src(%dma_wait3A_298 : memref<3x32x16xi32, #tpu.memory_space<hbm>>) dst(%arg9 : memref<3x32x16xi32, #tpu.memory_space<vmem>>)
      tpu.yield
    }) : () -> ()
    "tpu.region"() ({
      %run_scoped3A = tpu.sem_alloc : memref<!tpu.dma_semaphore, #tpu.memory_space<semaphore_mem>>
      tpu.enqueue_dma source(%arg6 : memref<16xf32, #tpu.memory_space<hbm>>) target(%arg13 : memref<16xf32, #tpu.memory_space<vmem>>) target_semaphore(%run_scoped3A : memref<!tpu.dma_semaphore, #tpu.memory_space<semaphore_mem>>)
      tpu.wait_dma2 semaphore(%run_scoped3A : memref<!tpu.dma_semaphore, #tpu.memory_space<semaphore_mem>>) src(%arg6 : memref<16xf32, #tpu.memory_space<hbm>>) dst(%arg13 : memref<16xf32, #tpu.memory_space<vmem>>)
      tpu.yield
    }) : () -> ()
    %get3A = arith.constant 0 : index
    %get3A_3 = tpu.vector_load %arg13[%get3A] {strides = array<i32>} : memref<16xf32, #tpu.memory_space<vmem>>, vector<16xf32>,
    %slice3A = vector.extract_strided_slice %get3A_3 {offsets = [0], sizes = [1], strides = [1]} : vector<16xf32> to vector<1xf32>
    %squeeze3A = vector.extract %slice3A[0] : f32 from vector<1xf32>
    %slice3A_4 = vector.extract_strided_slice %get3A_3 {offsets = [1], sizes = [1], strides = [1]} : vector<16xf32> to vector<1xf32>
    %squeeze3A_5 = vector.extract %slice3A_4[0] : f32 from vector<1xf32>
    %dma_start3A = arith.constant 0 : i32
    %dma_start3A_6 = arith.constant 0 : i32
    %dma_start3A_7 = arith.constant 0 : i32
    %dma_start3A_8 = arith.constant 0 : i32
    %dma_start3A_9 = tpu.memref_slice %arg10[%dma_start3A_7, %dma_start3A_8] : memref<256x128xf32, #tpu.memory_space<vmem>> -> memref<128x128xf32, #tpu.memory_space<vmem>>
    %dma_start3A_10 = arith.constant 0 : i32
    %dma_start3A_11 = tpu.memref_slice %arg8[%dma_start3A, %dma_start3A_6, %dma_start3A_10] : memref<3x4x128xi32, #tpu.memory_space<vmem>> -> memref<1x1x128xi32, #tpu.memory_space<vmem>>
    %dma_start3A_12 = tpu.memref_squeeze %dma_start3A_11 : memref<1x1x128xi32, #tpu.memory_space<vmem>> -> memref<128xi32, #tpu.memory_space<vmem>>
    %dma_start3A_13 = arith.constant 0 : i32
    %dma_start3A_14 = arith.constant 0 : i32
    %dma_start3A_15 = tpu.memref_slice %arg4[%dma_start3A_13, %dma_start3A_14] : memref<500224x128xf32, #tpu.memory_space<hbm>> -> memref<500224x128xf32, #tpu.memory_space<hbm>>
    tpu.enqueue_indirect_dma source(%dma_start3A_15 : memref<500224x128xf32, #tpu.memory_space<hbm>>) target(%dma_start3A_9 : memref<128x128xf32, #tpu.memory_space<vmem>>) offsets(%dma_start3A_12 : memref<128xi32, #tpu.memory_space<vmem>>) semaphore(%arg15 : memref<!tpu.dma_semaphore, #tpu.memory_space<semaphore_mem>>)
    %dma_start3A_16 = arith.constant 1 : i32
    %dma_start3A_17 = arith.constant 0 : i32
    %dma_start3A_18 = arith.constant 0 : i32
    %dma_start3A_19 = arith.constant 0 : i32
    %dma_start3A_20 = tpu.memref_slice %arg11[%dma_start3A_18, %dma_start3A_19] : memref<256x128xf32, #tpu.memory_space<vmem>> -> memref<128x128xf32, #tpu.memory_space<vmem>>
    %dma_start3A_21 = arith.constant 0 : i32
    %dma_start3A_22 = tpu.memref_slice %arg8[%dma_start3A_16, %dma_start3A_17, %dma_start3A_21] : memref<3x4x128xi32, #tpu.memory_space<vmem>> -> memref<1x1x128xi32, #tpu.memory_space<vmem>>
    %dma_start3A_23 = tpu.memref_squeeze %dma_start3A_22 : memref<1x1x128xi32, #tpu.memory_space<vmem>> -> memref<128xi32, #tpu.memory_space<vmem>>
    %dma_start3A_24 = arith.constant 0 : i32
    %dma_start3A_25 = arith.constant 0 : i32
    %dma_start3A_26 = tpu.memref_slice %arg5[%dma_start3A_24, %dma_start3A_25] : memref<500224x128xf32, #tpu.memory_space<hbm>> -> memref<500224x128xf32, #tpu.memory_space<hbm>>
    tpu.enqueue_indirect_dma source(%dma_start3A_26 : memref<500224x128xf32, #tpu.memory_space<hbm>>) target(%dma_start3A_20 : memref<128x128xf32, #tpu.memory_space<vmem>>) offsets(%dma_start3A_23 : memref<128xi32, #tpu.memory_space<vmem>>) semaphore(%arg15 : memref<!tpu.dma_semaphore, #tpu.memory_space<semaphore_mem>>)
    %dma_start3A_27 = arith.constant 2 : i32
    %dma_start3A_28 = arith.constant 0 : i32
    %dma_start3A_29 = arith.constant 0 : i32
    %dma_start3A_30 = arith.constant 0 : i32
    %dma_start3A_31 = tpu.memref_slice %arg12[%dma_start3A_29, %dma_start3A_30] : memref<256x128xf32, #tpu.memory_space<vmem>> -> memref<128x128xf32, #tpu.memory_space<vmem>>
    %dma_start3A_32 = arith.constant 0 : i32
    %dma_start3A_33 = tpu.memref_slice %arg8[%dma_start3A_27, %dma_start3A_28, %dma_start3A_32] : memref<3x4x128xi32, #tpu.memory_space<vmem>> -> memref<1x1x128xi32, #tpu.memory_space<vmem>>
    %dma_start3A_34 = tpu.memref_squeeze %dma_start3A_33 : memref<1x1x128xi32, #tpu.memory_space<vmem>> -> memref<128xi32, #tpu.memory_space<vmem>>
    %dma_start3A_35 = arith.constant 0 : i32
    %dma_start3A_36 = arith.constant 0 : i32
    %dma_start3A_37 = tpu.memref_slice %arg4[%dma_start3A_35, %dma_start3A_36] : memref<500224x128xf32, #tpu.memory_space<hbm>> -> memref<500224x128xf32, #tpu.memory_space<hbm>>
    tpu.enqueue_indirect_dma source(%dma_start3A_37 : memref<500224x128xf32, #tpu.memory_space<hbm>>) target(%dma_start3A_31 : memref<128x128xf32, #tpu.memory_space<vmem>>) offsets(%dma_start3A_34 : memref<128xi32, #tpu.memory_space<vmem>>) semaphore(%arg15 : memref<!tpu.dma_semaphore, #tpu.memory_space<semaphore_mem>>)
    %dma_start3A_38 = arith.constant 0 : i32
    %dma_start3A_39 = arith.constant 1 : i32
    %dma_start3A_40 = arith.constant 128 : i32
    %dma_start3A_41 = arith.constant 0 : i32
    %dma_start3A_42 = tpu.memref_slice %arg10[%dma_start3A_40, %dma_start3A_41] : memref<256x128xf32, #tpu.memory_space<vmem>> -> memref<128x128xf32, #tpu.memory_space<vmem>>
    %dma_start3A_43 = arith.constant 0 : i32
    %dma_start3A_44 = tpu.memref_slice %arg8[%dma_start3A_38, %dma_start3A_39, %dma_start3A_43] : memref<3x4x128xi32, #tpu.memory_space<vmem>> -> memref<1x1x128xi32, #tpu.memory_space<vmem>>
    %dma_start3A_45 = tpu.memref_squeeze %dma_start3A_44 : memref<1x1x128xi32, #tpu.memory_space<vmem>> -> memref<128xi32, #tpu.memory_space<vmem>>
    %dma_start3A_46 = arith.constant 0 : i32
    %dma_start3A_47 = arith.constant 0 : i32
    %dma_start3A_48 = tpu.memref_slice %arg4[%dma_start3A_46, %dma_start3A_47] : memref<500224x128xf32, #tpu.memory_space<hbm>> -> memref<500224x128xf32, #tpu.memory_space<hbm>>
    tpu.enqueue_indirect_dma source(%dma_start3A_48 : memref<500224x128xf32, #tpu.memory_space<hbm>>) target(%dma_start3A_42 : memref<128x128xf32, #tpu.memory_space<vmem>>) offsets(%dma_start3A_45 : memref<128xi32, #tpu.memory_space<vmem>>) semaphore(%arg15 : memref<!tpu.dma_semaphore, #tpu.memory_space<semaphore_mem>>)
    %dma_start3A_49 = arith.constant 1 : i32
    %dma_start3A_50 = arith.constant 1 : i32
    %dma_start3A_51 = arith.constant 128 : i32
    %dma_start3A_52 = arith.constant 0 : i32
    %dma_start3A_53 = tpu.memref_slice %arg11[%dma_start3A_51, %dma_start3A_52] : memref<256x128xf32, #tpu.memory_space<vmem>> -> memref<128x128xf32, #tpu.memory_space<vmem>>
    %dma_start3A_54 = arith.constant 0 : i32
    %dma_start3A_55 = tpu.memref_slice %arg8[%dma_start3A_49, %dma_start3A_50, %dma_start3A_54] : memref<3x4x128xi32, #tpu.memory_space<vmem>> -> memref<1x1x128xi32, #tpu.memory_space<vmem>>
    %dma_start3A_56 = tpu.memref_squeeze %dma_start3A_55 : memref<1x1x128xi32, #tpu.memory_space<vmem>> -> memref<128xi32, #tpu.memory_space<vmem>>
    %dma_start3A_57 = arith.constant 0 : i32
    %dma_start3A_58 = arith.constant 0 : i32
    %dma_start3A_59 = tpu.memref_slice %arg5[%dma_start3A_57, %dma_start3A_58] : memref<500224x128xf32, #tpu.memory_space<hbm>> -> memref<500224x128xf32, #tpu.memory_space<hbm>>
    tpu.enqueue_indirect_dma source(%dma_start3A_59 : memref<500224x128xf32, #tpu.memory_space<hbm>>) target(%dma_start3A_53 : memref<128x128xf32, #tpu.memory_space<vmem>>) offsets(%dma_start3A_56 : memref<128xi32, #tpu.memory_space<vmem>>) semaphore(%arg15 : memref<!tpu.dma_semaphore, #tpu.memory_space<semaphore_mem>>)
    %dma_start3A_60 = arith.constant 2 : i32
    %dma_start3A_61 = arith.constant 1 : i32
    %dma_start3A_62 = arith.constant 128 : i32
    %dma_start3A_63 = arith.constant 0 : i32
    %dma_start3A_64 = tpu.memref_slice %arg12[%dma_start3A_62, %dma_start3A_63] : memref<256x128xf32, #tpu.memory_space<vmem>> -> memref<128x128xf32, #tpu.memory_space<vmem>>
    %dma_start3A_65 = arith.constant 0 : i32
    %dma_start3A_66 = tpu.memref_slice %arg8[%dma_start3A_60, %dma_start3A_61, %dma_start3A_65] : memref<3x4x128xi32, #tpu.memory_space<vmem>> -> memref<1x1x128xi32, #tpu.memory_space<vmem>>
    %dma_start3A_67 = tpu.memref_squeeze %dma_start3A_66 : memref<1x1x128xi32, #tpu.memory_space<vmem>> -> memref<128xi32, #tpu.memory_space<vmem>>
    %dma_start3A_68 = arith.constant 0 : i32
    %dma_start3A_69 = arith.constant 0 : i32
    %dma_start3A_70 = tpu.memref_slice %arg4[%dma_start3A_68, %dma_start3A_69] : memref<500224x128xf32, #tpu.memory_space<hbm>> -> memref<500224x128xf32, #tpu.memory_space<hbm>>
    tpu.enqueue_indirect_dma source(%dma_start3A_70 : memref<500224x128xf32, #tpu.memory_space<hbm>>) target(%dma_start3A_64 : memref<128x128xf32, #tpu.memory_space<vmem>>) offsets(%dma_start3A_67 : memref<128xi32, #tpu.memory_space<vmem>>) semaphore(%arg15 : memref<!tpu.dma_semaphore, #tpu.memory_space<semaphore_mem>>)
    %dma_wait3A = arith.constant 0 : i32
    %dma_wait3A_71 = arith.constant 0 : i32
    %dma_wait3A_72 = arith.constant 0 : i32
    %dma_wait3A_73 = arith.constant 0 : i32
    %dma_wait3A_74 = tpu.memref_slice %arg10[%dma_wait3A_72, %dma_wait3A_73] : memref<256x128xf32, #tpu.memory_space<vmem>> -> memref<128x128xf32, #tpu.memory_space<vmem>>
    %dma_wait3A_75 = arith.constant 0 : i32
    %dma_wait3A_76 = tpu.memref_slice %arg8[%dma_wait3A, %dma_wait3A_71, %dma_wait3A_75] : memref<3x4x128xi32, #tpu.memory_space<vmem>> -> memref<1x1x128xi32, #tpu.memory_space<vmem>>
    %dma_wait3A_77 = tpu.memref_squeeze %dma_wait3A_76 : memref<1x1x128xi32, #tpu.memory_space<vmem>> -> memref<128xi32, #tpu.memory_space<vmem>>
    %dma_wait3A_78 = arith.constant 0 : i32
    %dma_wait3A_79 = arith.constant 0 : i32
    %dma_wait3A_80 = tpu.memref_slice %arg4[%dma_wait3A_78, %dma_wait3A_79] : memref<500224x128xf32, #tpu.memory_space<hbm>> -> memref<500224x128xf32, #tpu.memory_space<hbm>>
    tpu.wait_indirect_dma semaphore(%arg15 : memref<!tpu.dma_semaphore, #tpu.memory_space<semaphore_mem>>) src(%dma_wait3A_80 : memref<500224x128xf32, #tpu.memory_space<hbm>>) dst(%dma_wait3A_74 : memref<128x128xf32, #tpu.memory_space<vmem>>)
    %dma_wait3A_81 = arith.constant 1 : i32
    %dma_wait3A_82 = arith.constant 0 : i32
    %dma_wait3A_83 = arith.constant 0 : i32
    %dma_wait3A_84 = arith.constant 0 : i32
    %dma_wait3A_85 = tpu.memref_slice %arg11[%dma_wait3A_83, %dma_wait3A_84] : memref<256x128xf32, #tpu.memory_space<vmem>> -> memref<128x128xf32, #tpu.memory_space<vmem>>
    %dma_wait3A_86 = arith.constant 0 : i32
    %dma_wait3A_87 = tpu.memref_slice %arg8[%dma_wait3A_81, %dma_wait3A_82, %dma_wait3A_86] : memref<3x4x128xi32, #tpu.memory_space<vmem>> -> memref<1x1x128xi32, #tpu.memory_space<vmem>>
    %dma_wait3A_88 = tpu.memref_squeeze %dma_wait3A_87 : memref<1x1x128xi32, #tpu.memory_space<vmem>> -> memref<128xi32, #tpu.memory_space<vmem>>
    %dma_wait3A_89 = arith.constant 0 : i32
    %dma_wait3A_90 = arith.constant 0 : i32
    %dma_wait3A_91 = tpu.memref_slice %arg5[%dma_wait3A_89, %dma_wait3A_90] : memref<500224x128xf32, #tpu.memory_space<hbm>> -> memref<500224x128xf32, #tpu.memory_space<hbm>>
    tpu.wait_indirect_dma semaphore(%arg15 : memref<!tpu.dma_semaphore, #tpu.memory_space<semaphore_mem>>) src(%dma_wait3A_91 : memref<500224x128xf32, #tpu.memory_space<hbm>>) dst(%dma_wait3A_85 : memref<128x128xf32, #tpu.memory_space<vmem>>)
    %dma_wait3A_92 = arith.constant 2 : i32
    %dma_wait3A_93 = arith.constant 0 : i32
    %dma_wait3A_94 = arith.constant 0 : i32
    %dma_wait3A_95 = arith.constant 0 : i32
    %dma_wait3A_96 = tpu.memref_slice %arg12[%dma_wait3A_94, %dma_wait3A_95] : memref<256x128xf32, #tpu.memory_space<vmem>> -> memref<128x128xf32, #tpu.memory_space<vmem>>
    %dma_wait3A_97 = arith.constant 0 : i32
    %dma_wait3A_98 = tpu.memref_slice %arg8[%dma_wait3A_92, %dma_wait3A_93, %dma_wait3A_97] : memref<3x4x128xi32, #tpu.memory_space<vmem>> -> memref<1x1x128xi32, #tpu.memory_space<vmem>>
    %dma_wait3A_99 = tpu.memref_squeeze %dma_wait3A_98 : memref<1x1x128xi32, #tpu.memory_space<vmem>> -> memref<128xi32, #tpu.memory_space<vmem>>
    %dma_wait3A_100 = arith.constant 0 : i32
    %dma_wait3A_101 = arith.constant 0 : i32
    %dma_wait3A_102 = tpu.memref_slice %arg4[%dma_wait3A_100, %dma_wait3A_101] : memref<500224x128xf32, #tpu.memory_space<hbm>> -> memref<500224x128xf32, #tpu.memory_space<hbm>>
    tpu.wait_indirect_dma semaphore(%arg15 : memref<!tpu.dma_semaphore, #tpu.memory_space<semaphore_mem>>) src(%dma_wait3A_102 : memref<500224x128xf32, #tpu.memory_space<hbm>>) dst(%dma_wait3A_96 : memref<128x128xf32, #tpu.memory_space<vmem>>)
    %dma_wait3A_103 = arith.constant 0 : i32
    %dma_wait3A_104 = arith.constant 1 : i32
    %dma_wait3A_105 = arith.constant 128 : i32
    %dma_wait3A_106 = arith.constant 0 : i32
    %dma_wait3A_107 = tpu.memref_slice %arg10[%dma_wait3A_105, %dma_wait3A_106] : memref<256x128xf32, #tpu.memory_space<vmem>> -> memref<128x128xf32, #tpu.memory_space<vmem>>
    %dma_wait3A_108 = arith.constant 0 : i32
    %dma_wait3A_109 = tpu.memref_slice %arg8[%dma_wait3A_103, %dma_wait3A_104, %dma_wait3A_108] : memref<3x4x128xi32, #tpu.memory_space<vmem>> -> memref<1x1x128xi32, #tpu.memory_space<vmem>>
    %dma_wait3A_110 = tpu.memref_squeeze %dma_wait3A_109 : memref<1x1x128xi32, #tpu.memory_space<vmem>> -> memref<128xi32, #tpu.memory_space<vmem>>
    %dma_wait3A_111 = arith.constant 0 : i32
    %dma_wait3A_112 = arith.constant 0 : i32
    %dma_wait3A_113 = tpu.memref_slice %arg4[%dma_wait3A_111, %dma_wait3A_112] : memref<500224x128xf32, #tpu.memory_space<hbm>> -> memref<500224x128xf32, #tpu.memory_space<hbm>>
    tpu.wait_indirect_dma semaphore(%arg15 : memref<!tpu.dma_semaphore, #tpu.memory_space<semaphore_mem>>) src(%dma_wait3A_113 : memref<500224x128xf32, #tpu.memory_space<hbm>>) dst(%dma_wait3A_107 : memref<128x128xf32, #tpu.memory_space<vmem>>)
    %dma_wait3A_114 = arith.constant 1 : i32
    %dma_wait3A_115 = arith.constant 1 : i32
    %dma_wait3A_116 = arith.constant 128 : i32
    %dma_wait3A_117 = arith.constant 0 : i32
    %dma_wait3A_118 = tpu.memref_slice %arg11[%dma_wait3A_116, %dma_wait3A_117] : memref<256x128xf32, #tpu.memory_space<vmem>> -> memref<128x128xf32, #tpu.memory_space<vmem>>
    %dma_wait3A_119 = arith.constant 0 : i32
    %dma_wait3A_120 = tpu.memref_slice %arg8[%dma_wait3A_114, %dma_wait3A_115, %dma_wait3A_119] : memref<3x4x128xi32, #tpu.memory_space<vmem>> -> memref<1x1x128xi32, #tpu.memory_space<vmem>>
    %dma_wait3A_121 = tpu.memref_squeeze %dma_wait3A_120 : memref<1x1x128xi32, #tpu.memory_space<vmem>> -> memref<128xi32, #tpu.memory_space<vmem>>
    %dma_wait3A_122 = arith.constant 0 : i32
    %dma_wait3A_123 = arith.constant 0 : i32
    %dma_wait3A_124 = tpu.memref_slice %arg5[%dma_wait3A_122, %dma_wait3A_123] : memref<500224x128xf32, #tpu.memory_space<hbm>> -> memref<500224x128xf32, #tpu.memory_space<hbm>>
    tpu.wait_indirect_dma semaphore(%arg15 : memref<!tpu.dma_semaphore, #tpu.memory_space<semaphore_mem>>) src(%dma_wait3A_124 : memref<500224x128xf32, #tpu.memory_space<hbm>>) dst(%dma_wait3A_118 : memref<128x128xf32, #tpu.memory_space<vmem>>)
    %dma_wait3A_125 = arith.constant 2 : i32
    %dma_wait3A_126 = arith.constant 1 : i32
    %dma_wait3A_127 = arith.constant 128 : i32
    %dma_wait3A_128 = arith.constant 0 : i32
    %dma_wait3A_129 = tpu.memref_slice %arg12[%dma_wait3A_127, %dma_wait3A_128] : memref<256x128xf32, #tpu.memory_space<vmem>> -> memref<128x128xf32, #tpu.memory_space<vmem>>
    %dma_wait3A_130 = arith.constant 0 : i32
    %dma_wait3A_131 = tpu.memref_slice %arg8[%dma_wait3A_125, %dma_wait3A_126, %dma_wait3A_130] : memref<3x4x128xi32, #tpu.memory_space<vmem>> -> memref<1x1x128xi32, #tpu.memory_space<vmem>>
    %dma_wait3A_132 = tpu.memref_squeeze %dma_wait3A_131 : memref<1x1x128xi32, #tpu.memory_space<vmem>> -> memref<128xi32, #tpu.memory_space<vmem>>
    %dma_wait3A_133 = arith.constant 0 : i32
    %dma_wait3A_134 = arith.constant 0 : i32
    %dma_wait3A_135 = tpu.memref_slice %arg4[%dma_wait3A_133, %dma_wait3A_134] : memref<500224x128xf32, #tpu.memory_space<hbm>> -> memref<500224x128xf32, #tpu.memory_space<hbm>>
    tpu.wait_indirect_dma semaphore(%arg15 : memref<!tpu.dma_semaphore, #tpu.memory_space<semaphore_mem>>) src(%dma_wait3A_135 : memref<500224x128xf32, #tpu.memory_space<hbm>>) dst(%dma_wait3A_129 : memref<128x128xf32, #tpu.memory_space<vmem>>)
    %scan3A = arith.constant 0 : i32
    %scan3A_136 = arith.constant 0 : i32
    %scan3A_137 = arith.constant 16 : i32
    %scan3A_138 = arith.addi %scan3A_136, %scan3A_137 : i32
    %scan3A_139 = arith.constant 1 : i32
    scf.for %scan3A_279 = %scan3A_136 to %scan3A_138 step %scan3A_139  : i32 {
      %iota3A = tpu.iota {dimensions = array<i32: 0>} : vector<16xi32>
      %sub3A = arith.constant 0 : i32
      %sub3A_280 = arith.subi %scan3A_279, %sub3A : i32
      %mul3A_281 = arith.constant 16 : i32
      %mul3A_282 = arith.muli %sub3A_280, %mul3A_281 : i32
      %add3A_283 = vector.broadcast %mul3A_282 : i32 to vector<16xi32>
      %add3A_284 = arith.addi %iota3A, %add3A_283 : vector<16xi32>
      %get3A_285 = arith.constant 0 : i32
      %get3A_286 = arith.index_cast %get3A_285 : i32 to index
      %get3A_287 = arith.index_cast %scan3A_279 : i32 to index
      %get3A_288 = arith.constant 0 : index
      %get3A_289 = tpu.vector_load %arg9[%get3A_286, %get3A_287, %get3A_288] {strides = array<i32>} : memref<3x32x16xi32, #tpu.memory_space<vmem>>, vector<16xi32>,
      %get3A_290 = arith.constant 1 : i32
      %get3A_291 = arith.index_cast %get3A_290 : i32 to index
      %get3A_292 = arith.index_cast %scan3A_279 : i32 to index
      %get3A_293 = arith.constant 0 : index
      %get3A_294 = tpu.vector_load %arg9[%get3A_291, %get3A_292, %get3A_293] {strides = array<i32>} : memref<3x32x16xi32, #tpu.memory_space<vmem>>, vector<16xi32>,
      %get3A_295 = arith.constant 2 : i32
      %get3A_296 = arith.index_cast %get3A_295 : i32 to index
      %get3A_297 = arith.index_cast %scan3A_279 : i32 to index
      %get3A_298 = arith.constant 0 : index
      %get3A_299 = tpu.vector_load %arg9[%get3A_296, %get3A_297, %get3A_298] {strides = array<i32>} : memref<3x32x16xi32, #tpu.memory_space<vmem>>, vector<16xi32>,
      %broadcast_in_dim3A = arith.constant 0.000000e+00 : f32
      %broadcast_in_dim3A_300 = vector.broadcast %broadcast_in_dim3A : f32 to vector<16xf32>
      %scan3A_301 = arith.constant 0 : i32
      %scan3A_302 = arith.constant 64 : i32
      %scan3A_303 = arith.addi %scan3A_301, %scan3A_302 : i32
      %scan3A_304 = arith.constant 1 : i32
      %scan3A_305 = scf.for %scan3A_321 = %scan3A_301 to %scan3A_303 step %scan3A_304 iter_args(%scan3A_322 = %broadcast_in_dim3A_300) -> (vector<16xf32>)  : i32 {
        %broadcast_in_dim3A_323 = vector.broadcast %scan3A_321 : i32 to vector<16xi32>
        %add3A_324 = arith.addi %broadcast_in_dim3A_323, %get3A_289 : vector<16xi32>
        %gather3A = tpu.vector_load_idx %arg10[%add3A_284, %add3A_324] : memref<256x128xf32, #tpu.memory_space<vmem>>[vector<16xi32>, vector<16xi32>], vector<16xf32>,
        %add3A_325 = arith.addi %broadcast_in_dim3A_323, %get3A_294 : vector<16xi32>
        %gather3A_326 = tpu.vector_load_idx %arg11[%add3A_284, %add3A_325] : memref<256x128xf32, #tpu.memory_space<vmem>>[vector<16xi32>, vector<16xi32>], vector<16xf32>,
        %add3A_327 = arith.addi %broadcast_in_dim3A_323, %get3A_299 : vector<16xi32>
        %gather3A_328 = tpu.vector_load_idx %arg12[%add3A_284, %add3A_327] : memref<256x128xf32, #tpu.memory_space<vmem>>[vector<16xi32>, vector<16xi32>], vector<16xf32>,
        %mul3A_329 = arith.mulf %gather3A, %gather3A_328 : vector<16xf32>
        %mul3A_330 = arith.mulf %gather3A_326, %mul3A_329 : vector<16xf32>
        %add3A_331 = arith.addf %scan3A_322, %mul3A_330 : vector<16xf32>
        scf.yield %add3A_331 : vector<16xf32>
      }
      %scan3A_306 = arith.constant 64 : i32
      %mul3A_307 = vector.broadcast %squeeze3A : f32 to vector<16xf32>
      %mul3A_308 = arith.mulf %scan3A_305, %mul3A_307 : vector<16xf32>
      %add3A_309 = vector.broadcast %squeeze3A_5 : f32 to vector<16xf32>
      %add3A_310 = arith.addf %mul3A_308, %add3A_309 : vector<16xf32>
      %neg3A = arith.constant 0.000000e+00 : f32
      %neg3A_311 = vector.broadcast %neg3A : f32 to vector<16xf32>
      %neg3A_312 = arith.subf %neg3A_311, %add3A_310 : vector<16xf32>
      %exp3A = math.exp %neg3A_312 : vector<16xf32>
      %add3A_313 = arith.constant 1.000000e+00 : f32
      %add3A_314 = vector.broadcast %add3A_313 : f32 to vector<16xf32>
      %add3A_315 = arith.addf %add3A_314, %exp3A : vector<16xf32>
      %div3A = arith.constant 1.000000e+00 : f32
      %div3A_316 = vector.broadcast %div3A : f32 to vector<16xf32>
      %div3A_317 = arith.divf %div3A_316, %add3A_315 : vector<16xf32>
      %mul3A_318 = arith.constant 16 : i32
      %mul3A_319 = arith.muli %scan3A_279, %mul3A_318 : i32
      %swap3A = arith.index_cast %mul3A_319 : i32 to index
      %swap3A_320 = tpu.vector_load %arg14[%swap3A] {strides = array<i32>} : memref<512xf32, #tpu.memory_space<vmem>>, vector<16xf32>,
      tpu.vector_store %arg14[%swap3A], %div3A_317 {strides = array<i32>} : memref<512xf32, #tpu.memory_space<vmem>>, vector<16xf32>,
    }
    %scan3A_140 = arith.constant 16 : i32
    %dma_start3A_141 = arith.constant 0 : i32
    %dma_start3A_142 = arith.constant 2 : i32
    %dma_start3A_143 = arith.constant 0 : i32
    %dma_start3A_144 = arith.constant 0 : i32
    %dma_start3A_145 = tpu.memref_slice %arg10[%dma_start3A_143, %dma_start3A_144] : memref<256x128xf32, #tpu.memory_space<vmem>> -> memref<128x128xf32, #tpu.memory_space<vmem>>
    %dma_start3A_146 = arith.constant 0 : i32
    %dma_start3A_147 = tpu.memref_slice %arg8[%dma_start3A_141, %dma_start3A_142, %dma_start3A_146] : memref<3x4x128xi32, #tpu.memory_space<vmem>> -> memref<1x1x128xi32, #tpu.memory_space<vmem>>
    %dma_start3A_148 = tpu.memref_squeeze %dma_start3A_147 : memref<1x1x128xi32, #tpu.memory_space<vmem>> -> memref<128xi32, #tpu.memory_space<vmem>>
    %dma_start3A_149 = arith.constant 0 : i32
    %dma_start3A_150 = arith.constant 0 : i32
    %dma_start3A_151 = tpu.memref_slice %arg4[%dma_start3A_149, %dma_start3A_150] : memref<500224x128xf32, #tpu.memory_space<hbm>> -> memref<500224x128xf32, #tpu.memory_space<hbm>>
    tpu.enqueue_indirect_dma source(%dma_start3A_151 : memref<500224x128xf32, #tpu.memory_space<hbm>>) target(%dma_start3A_145 : memref<128x128xf32, #tpu.memory_space<vmem>>) offsets(%dma_start3A_148 : memref<128xi32, #tpu.memory_space<vmem>>) semaphore(%arg15 : memref<!tpu.dma_semaphore, #tpu.memory_space<semaphore_mem>>)
    %dma_start3A_152 = arith.constant 1 : i32
    %dma_start3A_153 = arith.constant 2 : i32
    %dma_start3A_154 = arith.constant 0 : i32
    %dma_start3A_155 = arith.constant 0 : i32
    %dma_start3A_156 = tpu.memref_slice %arg11[%dma_start3A_154, %dma_start3A_155] : memref<256x128xf32, #tpu.memory_space<vmem>> -> memref<128x128xf32, #tpu.memory_space<vmem>>
    %dma_start3A_157 = arith.constant 0 : i32
    %dma_start3A_158 = tpu.memref_slice %arg8[%dma_start3A_152, %dma_start3A_153, %dma_start3A_157] : memref<3x4x128xi32, #tpu.memory_space<vmem>> -> memref<1x1x128xi32, #tpu.memory_space<vmem>>
    %dma_start3A_159 = tpu.memref_squeeze %dma_start3A_158 : memref<1x1x128xi32, #tpu.memory_space<vmem>> -> memref<128xi32, #tpu.memory_space<vmem>>
    %dma_start3A_160 = arith.constant 0 : i32
    %dma_start3A_161 = arith.constant 0 : i32
    %dma_start3A_162 = tpu.memref_slice %arg5[%dma_start3A_160, %dma_start3A_161] : memref<500224x128xf32, #tpu.memory_space<hbm>> -> memref<500224x128xf32, #tpu.memory_space<hbm>>
    tpu.enqueue_indirect_dma source(%dma_start3A_162 : memref<500224x128xf32, #tpu.memory_space<hbm>>) target(%dma_start3A_156 : memref<128x128xf32, #tpu.memory_space<vmem>>) offsets(%dma_start3A_159 : memref<128xi32, #tpu.memory_space<vmem>>) semaphore(%arg15 : memref<!tpu.dma_semaphore, #tpu.memory_space<semaphore_mem>>)
    %dma_start3A_163 = arith.constant 2 : i32
    %dma_start3A_164 = arith.constant 2 : i32
    %dma_start3A_165 = arith.constant 0 : i32
    %dma_start3A_166 = arith.constant 0 : i32
    %dma_start3A_167 = tpu.memref_slice %arg12[%dma_start3A_165, %dma_start3A_166] : memref<256x128xf32, #tpu.memory_space<vmem>> -> memref<128x128xf32, #tpu.memory_space<vmem>>
    %dma_start3A_168 = arith.constant 0 : i32
    %dma_start3A_169 = tpu.memref_slice %arg8[%dma_start3A_163, %dma_start3A_164, %dma_start3A_168] : memref<3x4x128xi32, #tpu.memory_space<vmem>> -> memref<1x1x128xi32, #tpu.memory_space<vmem>>
    %dma_start3A_170 = tpu.memref_squeeze %dma_start3A_169 : memref<1x1x128xi32, #tpu.memory_space<vmem>> -> memref<128xi32, #tpu.memory_space<vmem>>
    %dma_start3A_171 = arith.constant 0 : i32
    %dma_start3A_172 = arith.constant 0 : i32
    %dma_start3A_173 = tpu.memref_slice %arg4[%dma_start3A_171, %dma_start3A_172] : memref<500224x128xf32, #tpu.memory_space<hbm>> -> memref<500224x128xf32, #tpu.memory_space<hbm>>
    tpu.enqueue_indirect_dma source(%dma_start3A_173 : memref<500224x128xf32, #tpu.memory_space<hbm>>) target(%dma_start3A_167 : memref<128x128xf32, #tpu.memory_space<vmem>>) offsets(%dma_start3A_170 : memref<128xi32, #tpu.memory_space<vmem>>) semaphore(%arg15 : memref<!tpu.dma_semaphore, #tpu.memory_space<semaphore_mem>>)
    %dma_start3A_174 = arith.constant 0 : i32
    %dma_start3A_175 = arith.constant 3 : i32
    %dma_start3A_176 = arith.constant 128 : i32
    %dma_start3A_177 = arith.constant 0 : i32
    %dma_start3A_178 = tpu.memref_slice %arg10[%dma_start3A_176, %dma_start3A_177] : memref<256x128xf32, #tpu.memory_space<vmem>> -> memref<128x128xf32, #tpu.memory_space<vmem>>
    %dma_start3A_179 = arith.constant 0 : i32
    %dma_start3A_180 = tpu.memref_slice %arg8[%dma_start3A_174, %dma_start3A_175, %dma_start3A_179] : memref<3x4x128xi32, #tpu.memory_space<vmem>> -> memref<1x1x128xi32, #tpu.memory_space<vmem>>
    %dma_start3A_181 = tpu.memref_squeeze %dma_start3A_180 : memref<1x1x128xi32, #tpu.memory_space<vmem>> -> memref<128xi32, #tpu.memory_space<vmem>>
    %dma_start3A_182 = arith.constant 0 : i32
    %dma_start3A_183 = arith.constant 0 : i32
    %dma_start3A_184 = tpu.memref_slice %arg4[%dma_start3A_182, %dma_start3A_183] : memref<500224x128xf32, #tpu.memory_space<hbm>> -> memref<500224x128xf32, #tpu.memory_space<hbm>>
    tpu.enqueue_indirect_dma source(%dma_start3A_184 : memref<500224x128xf32, #tpu.memory_space<hbm>>) target(%dma_start3A_178 : memref<128x128xf32, #tpu.memory_space<vmem>>) offsets(%dma_start3A_181 : memref<128xi32, #tpu.memory_space<vmem>>) semaphore(%arg15 : memref<!tpu.dma_semaphore, #tpu.memory_space<semaphore_mem>>)
    %dma_start3A_185 = arith.constant 1 : i32
    %dma_start3A_186 = arith.constant 3 : i32
    %dma_start3A_187 = arith.constant 128 : i32
    %dma_start3A_188 = arith.constant 0 : i32
    %dma_start3A_189 = tpu.memref_slice %arg11[%dma_start3A_187, %dma_start3A_188] : memref<256x128xf32, #tpu.memory_space<vmem>> -> memref<128x128xf32, #tpu.memory_space<vmem>>
    %dma_start3A_190 = arith.constant 0 : i32
    %dma_start3A_191 = tpu.memref_slice %arg8[%dma_start3A_185, %dma_start3A_186, %dma_start3A_190] : memref<3x4x128xi32, #tpu.memory_space<vmem>> -> memref<1x1x128xi32, #tpu.memory_space<vmem>>
    %dma_start3A_192 = tpu.memref_squeeze %dma_start3A_191 : memref<1x1x128xi32, #tpu.memory_space<vmem>> -> memref<128xi32, #tpu.memory_space<vmem>>
    %dma_start3A_193 = arith.constant 0 : i32
    %dma_start3A_194 = arith.constant 0 : i32
    %dma_start3A_195 = tpu.memref_slice %arg5[%dma_start3A_193, %dma_start3A_194] : memref<500224x128xf32, #tpu.memory_space<hbm>> -> memref<500224x128xf32, #tpu.memory_space<hbm>>
    tpu.enqueue_indirect_dma source(%dma_start3A_195 : memref<500224x128xf32, #tpu.memory_space<hbm>>) target(%dma_start3A_189 : memref<128x128xf32, #tpu.memory_space<vmem>>) offsets(%dma_start3A_192 : memref<128xi32, #tpu.memory_space<vmem>>) semaphore(%arg15 : memref<!tpu.dma_semaphore, #tpu.memory_space<semaphore_mem>>)
    %dma_start3A_196 = arith.constant 2 : i32
    %dma_start3A_197 = arith.constant 3 : i32
    %dma_start3A_198 = arith.constant 128 : i32
    %dma_start3A_199 = arith.constant 0 : i32
    %dma_start3A_200 = tpu.memref_slice %arg12[%dma_start3A_198, %dma_start3A_199] : memref<256x128xf32, #tpu.memory_space<vmem>> -> memref<128x128xf32, #tpu.memory_space<vmem>>
    %dma_start3A_201 = arith.constant 0 : i32
    %dma_start3A_202 = tpu.memref_slice %arg8[%dma_start3A_196, %dma_start3A_197, %dma_start3A_201] : memref<3x4x128xi32, #tpu.memory_space<vmem>> -> memref<1x1x128xi32, #tpu.memory_space<vmem>>
    %dma_start3A_203 = tpu.memref_squeeze %dma_start3A_202 : memref<1x1x128xi32, #tpu.memory_space<vmem>> -> memref<128xi32, #tpu.memory_space<vmem>>
    %dma_start3A_204 = arith.constant 0 : i32
    %dma_start3A_205 = arith.constant 0 : i32
    %dma_start3A_206 = tpu.memref_slice %arg4[%dma_start3A_204, %dma_start3A_205] : memref<500224x128xf32, #tpu.memory_space<hbm>> -> memref<500224x128xf32, #tpu.memory_space<hbm>>
    tpu.enqueue_indirect_dma source(%dma_start3A_206 : memref<500224x128xf32, #tpu.memory_space<hbm>>) target(%dma_start3A_200 : memref<128x128xf32, #tpu.memory_space<vmem>>) offsets(%dma_start3A_203 : memref<128xi32, #tpu.memory_space<vmem>>) semaphore(%arg15 : memref<!tpu.dma_semaphore, #tpu.memory_space<semaphore_mem>>)
    %dma_wait3A_207 = arith.constant 0 : i32
    %dma_wait3A_208 = arith.constant 2 : i32
    %dma_wait3A_209 = arith.constant 0 : i32
    %dma_wait3A_210 = arith.constant 0 : i32
    %dma_wait3A_211 = tpu.memref_slice %arg10[%dma_wait3A_209, %dma_wait3A_210] : memref<256x128xf32, #tpu.memory_space<vmem>> -> memref<128x128xf32, #tpu.memory_space<vmem>>
    %dma_wait3A_212 = arith.constant 0 : i32
    %dma_wait3A_213 = tpu.memref_slice %arg8[%dma_wait3A_207, %dma_wait3A_208, %dma_wait3A_212] : memref<3x4x128xi32, #tpu.memory_space<vmem>> -> memref<1x1x128xi32, #tpu.memory_space<vmem>>
    %dma_wait3A_214 = tpu.memref_squeeze %dma_wait3A_213 : memref<1x1x128xi32, #tpu.memory_space<vmem>> -> memref<128xi32, #tpu.memory_space<vmem>>
    %dma_wait3A_215 = arith.constant 0 : i32
    %dma_wait3A_216 = arith.constant 0 : i32
    %dma_wait3A_217 = tpu.memref_slice %arg4[%dma_wait3A_215, %dma_wait3A_216] : memref<500224x128xf32, #tpu.memory_space<hbm>> -> memref<500224x128xf32, #tpu.memory_space<hbm>>
    tpu.wait_indirect_dma semaphore(%arg15 : memref<!tpu.dma_semaphore, #tpu.memory_space<semaphore_mem>>) src(%dma_wait3A_217 : memref<500224x128xf32, #tpu.memory_space<hbm>>) dst(%dma_wait3A_211 : memref<128x128xf32, #tpu.memory_space<vmem>>)
    %dma_wait3A_218 = arith.constant 1 : i32
    %dma_wait3A_219 = arith.constant 2 : i32
    %dma_wait3A_220 = arith.constant 0 : i32
    %dma_wait3A_221 = arith.constant 0 : i32
    %dma_wait3A_222 = tpu.memref_slice %arg11[%dma_wait3A_220, %dma_wait3A_221] : memref<256x128xf32, #tpu.memory_space<vmem>> -> memref<128x128xf32, #tpu.memory_space<vmem>>
    %dma_wait3A_223 = arith.constant 0 : i32
    %dma_wait3A_224 = tpu.memref_slice %arg8[%dma_wait3A_218, %dma_wait3A_219, %dma_wait3A_223] : memref<3x4x128xi32, #tpu.memory_space<vmem>> -> memref<1x1x128xi32, #tpu.memory_space<vmem>>
    %dma_wait3A_225 = tpu.memref_squeeze %dma_wait3A_224 : memref<1x1x128xi32, #tpu.memory_space<vmem>> -> memref<128xi32, #tpu.memory_space<vmem>>
    %dma_wait3A_226 = arith.constant 0 : i32
    %dma_wait3A_227 = arith.constant 0 : i32
    %dma_wait3A_228 = tpu.memref_slice %arg5[%dma_wait3A_226, %dma_wait3A_227] : memref<500224x128xf32, #tpu.memory_space<hbm>> -> memref<500224x128xf32, #tpu.memory_space<hbm>>
    tpu.wait_indirect_dma semaphore(%arg15 : memref<!tpu.dma_semaphore, #tpu.memory_space<semaphore_mem>>) src(%dma_wait3A_228 : memref<500224x128xf32, #tpu.memory_space<hbm>>) dst(%dma_wait3A_222 : memref<128x128xf32, #tpu.memory_space<vmem>>)
    %dma_wait3A_229 = arith.constant 2 : i32
    %dma_wait3A_230 = arith.constant 2 : i32
    %dma_wait3A_231 = arith.constant 0 : i32
    %dma_wait3A_232 = arith.constant 0 : i32
    %dma_wait3A_233 = tpu.memref_slice %arg12[%dma_wait3A_231, %dma_wait3A_232] : memref<256x128xf32, #tpu.memory_space<vmem>> -> memref<128x128xf32, #tpu.memory_space<vmem>>
    %dma_wait3A_234 = arith.constant 0 : i32
    %dma_wait3A_235 = tpu.memref_slice %arg8[%dma_wait3A_229, %dma_wait3A_230, %dma_wait3A_234] : memref<3x4x128xi32, #tpu.memory_space<vmem>> -> memref<1x1x128xi32, #tpu.memory_space<vmem>>
    %dma_wait3A_236 = tpu.memref_squeeze %dma_wait3A_235 : memref<1x1x128xi32, #tpu.memory_space<vmem>> -> memref<128xi32, #tpu.memory_space<vmem>>
    %dma_wait3A_237 = arith.constant 0 : i32
    %dma_wait3A_238 = arith.constant 0 : i32
    %dma_wait3A_239 = tpu.memref_slice %arg4[%dma_wait3A_237, %dma_wait3A_238] : memref<500224x128xf32, #tpu.memory_space<hbm>> -> memref<500224x128xf32, #tpu.memory_space<hbm>>
    tpu.wait_indirect_dma semaphore(%arg15 : memref<!tpu.dma_semaphore, #tpu.memory_space<semaphore_mem>>) src(%dma_wait3A_239 : memref<500224x128xf32, #tpu.memory_space<hbm>>) dst(%dma_wait3A_233 : memref<128x128xf32, #tpu.memory_space<vmem>>)
    %dma_wait3A_240 = arith.constant 0 : i32
    %dma_wait3A_241 = arith.constant 3 : i32
    %dma_wait3A_242 = arith.constant 128 : i32
    %dma_wait3A_243 = arith.constant 0 : i32
    %dma_wait3A_244 = tpu.memref_slice %arg10[%dma_wait3A_242, %dma_wait3A_243] : memref<256x128xf32, #tpu.memory_space<vmem>> -> memref<128x128xf32, #tpu.memory_space<vmem>>
    %dma_wait3A_245 = arith.constant 0 : i32
    %dma_wait3A_246 = tpu.memref_slice %arg8[%dma_wait3A_240, %dma_wait3A_241, %dma_wait3A_245] : memref<3x4x128xi32, #tpu.memory_space<vmem>> -> memref<1x1x128xi32, #tpu.memory_space<vmem>>
    %dma_wait3A_247 = tpu.memref_squeeze %dma_wait3A_246 : memref<1x1x128xi32, #tpu.memory_space<vmem>> -> memref<128xi32, #tpu.memory_space<vmem>>
    %dma_wait3A_248 = arith.constant 0 : i32
    %dma_wait3A_249 = arith.constant 0 : i32
    %dma_wait3A_250 = tpu.memref_slice %arg4[%dma_wait3A_248, %dma_wait3A_249] : memref<500224x128xf32, #tpu.memory_space<hbm>> -> memref<500224x128xf32, #tpu.memory_space<hbm>>
    tpu.wait_indirect_dma semaphore(%arg15 : memref<!tpu.dma_semaphore, #tpu.memory_space<semaphore_mem>>) src(%dma_wait3A_250 : memref<500224x128xf32, #tpu.memory_space<hbm>>) dst(%dma_wait3A_244 : memref<128x128xf32, #tpu.memory_space<vmem>>)
    %dma_wait3A_251 = arith.constant 1 : i32
    %dma_wait3A_252 = arith.constant 3 : i32
    %dma_wait3A_253 = arith.constant 128 : i32
    %dma_wait3A_254 = arith.constant 0 : i32
    %dma_wait3A_255 = tpu.memref_slice %arg11[%dma_wait3A_253, %dma_wait3A_254] : memref<256x128xf32, #tpu.memory_space<vmem>> -> memref<128x128xf32, #tpu.memory_space<vmem>>
    %dma_wait3A_256 = arith.constant 0 : i32
    %dma_wait3A_257 = tpu.memref_slice %arg8[%dma_wait3A_251, %dma_wait3A_252, %dma_wait3A_256] : memref<3x4x128xi32, #tpu.memory_space<vmem>> -> memref<1x1x128xi32, #tpu.memory_space<vmem>>
    %dma_wait3A_258 = tpu.memref_squeeze %dma_wait3A_257 : memref<1x1x128xi32, #tpu.memory_space<vmem>> -> memref<128xi32, #tpu.memory_space<vmem>>
    %dma_wait3A_259 = arith.constant 0 : i32
    %dma_wait3A_260 = arith.constant 0 : i32
    %dma_wait3A_261 = tpu.memref_slice %arg5[%dma_wait3A_259, %dma_wait3A_260] : memref<500224x128xf32, #tpu.memory_space<hbm>> -> memref<500224x128xf32, #tpu.memory_space<hbm>>
    tpu.wait_indirect_dma semaphore(%arg15 : memref<!tpu.dma_semaphore, #tpu.memory_space<semaphore_mem>>) src(%dma_wait3A_261 : memref<500224x128xf32, #tpu.memory_space<hbm>>) dst(%dma_wait3A_255 : memref<128x128xf32, #tpu.memory_space<vmem>>)
    %dma_wait3A_262 = arith.constant 2 : i32
    %dma_wait3A_263 = arith.constant 3 : i32
    %dma_wait3A_264 = arith.constant 128 : i32
    %dma_wait3A_265 = arith.constant 0 : i32
    %dma_wait3A_266 = tpu.memref_slice %arg12[%dma_wait3A_264, %dma_wait3A_265] : memref<256x128xf32, #tpu.memory_space<vmem>> -> memref<128x128xf32, #tpu.memory_space<vmem>>
    %dma_wait3A_267 = arith.constant 0 : i32
    %dma_wait3A_268 = tpu.memref_slice %arg8[%dma_wait3A_262, %dma_wait3A_263, %dma_wait3A_267] : memref<3x4x128xi32, #tpu.memory_space<vmem>> -> memref<1x1x128xi32, #tpu.memory_space<vmem>>
    %dma_wait3A_269 = tpu.memref_squeeze %dma_wait3A_268 : memref<1x1x128xi32, #tpu.memory_space<vmem>> -> memref<128xi32, #tpu.memory_space<vmem>>
    %dma_wait3A_270 = arith.constant 0 : i32
    %dma_wait3A_271 = arith.constant 0 : i32
    %dma_wait3A_272 = tpu.memref_slice %arg4[%dma_wait3A_270, %dma_wait3A_271] : memref<500224x128xf32, #tpu.memory_space<hbm>> -> memref<500224x128xf32, #tpu.memory_space<hbm>>
    tpu.wait_indirect_dma semaphore(%arg15 : memref<!tpu.dma_semaphore, #tpu.memory_space<semaphore_mem>>) src(%dma_wait3A_272 : memref<500224x128xf32, #tpu.memory_space<hbm>>) dst(%dma_wait3A_266 : memref<128x128xf32, #tpu.memory_space<vmem>>)
    %scan3A_273 = arith.constant 0 : i32
    %scan3A_274 = arith.constant 16 : i32
    %scan3A_275 = arith.constant 16 : i32
    %scan3A_276 = arith.addi %scan3A_274, %scan3A_275 : i32
    %scan3A_277 = arith.constant 1 : i32
    scf.for %scan3A_279 = %scan3A_274 to %scan3A_276 step %scan3A_277  : i32 {
      %iota3A = tpu.iota {dimensions = array<i32: 0>} : vector<16xi32>
      %sub3A = arith.constant 16 : i32
      %sub3A_280 = arith.subi %scan3A_279, %sub3A : i32
      %mul3A_281 = arith.constant 16 : i32
      %mul3A_282 = arith.muli %sub3A_280, %mul3A_281 : i32
      %add3A_283 = vector.broadcast %mul3A_282 : i32 to vector<16xi32>
      %add3A_284 = arith.addi %iota3A, %add3A_283 : vector<16xi32>
      %get3A_285 = arith.constant 0 : i32
      %get3A_286 = arith.index_cast %get3A_285 : i32 to index
      %get3A_287 = arith.index_cast %scan3A_279 : i32 to index
      %get3A_288 = arith.constant 0 : index
      %get3A_289 = tpu.vector_load %arg9[%get3A_286, %get3A_287, %get3A_288] {strides = array<i32>} : memref<3x32x16xi32, #tpu.memory_space<vmem>>, vector<16xi32>,
      %get3A_290 = arith.constant 1 : i32
      %get3A_291 = arith.index_cast %get3A_290 : i32 to index
      %get3A_292 = arith.index_cast %scan3A_279 : i32 to index
      %get3A_293 = arith.constant 0 : index
      %get3A_294 = tpu.vector_load %arg9[%get3A_291, %get3A_292, %get3A_293] {strides = array<i32>} : memref<3x32x16xi32, #tpu.memory_space<vmem>>, vector<16xi32>,
      %get3A_295 = arith.constant 2 : i32
      %get3A_296 = arith.index_cast %get3A_295 : i32 to index
      %get3A_297 = arith.index_cast %scan3A_279 : i32 to index
      %get3A_298 = arith.constant 0 : index
      %get3A_299 = tpu.vector_load %arg9[%get3A_296, %get3A_297, %get3A_298] {strides = array<i32>} : memref<3x32x16xi32, #tpu.memory_space<vmem>>, vector<16xi32>,
      %broadcast_in_dim3A = arith.constant 0.000000e+00 : f32
      %broadcast_in_dim3A_300 = vector.broadcast %broadcast_in_dim3A : f32 to vector<16xf32>
      %scan3A_301 = arith.constant 0 : i32
      %scan3A_302 = arith.constant 64 : i32
      %scan3A_303 = arith.addi %scan3A_301, %scan3A_302 : i32
      %scan3A_304 = arith.constant 1 : i32
      %scan3A_305 = scf.for %scan3A_321 = %scan3A_301 to %scan3A_303 step %scan3A_304 iter_args(%scan3A_322 = %broadcast_in_dim3A_300) -> (vector<16xf32>)  : i32 {
        %broadcast_in_dim3A_323 = vector.broadcast %scan3A_321 : i32 to vector<16xi32>
        %add3A_324 = arith.addi %broadcast_in_dim3A_323, %get3A_289 : vector<16xi32>
        %gather3A = tpu.vector_load_idx %arg10[%add3A_284, %add3A_324] : memref<256x128xf32, #tpu.memory_space<vmem>>[vector<16xi32>, vector<16xi32>], vector<16xf32>,
        %add3A_325 = arith.addi %broadcast_in_dim3A_323, %get3A_294 : vector<16xi32>
        %gather3A_326 = tpu.vector_load_idx %arg11[%add3A_284, %add3A_325] : memref<256x128xf32, #tpu.memory_space<vmem>>[vector<16xi32>, vector<16xi32>], vector<16xf32>,
        %add3A_327 = arith.addi %broadcast_in_dim3A_323, %get3A_299 : vector<16xi32>
        %gather3A_328 = tpu.vector_load_idx %arg12[%add3A_284, %add3A_327] : memref<256x128xf32, #tpu.memory_space<vmem>>[vector<16xi32>, vector<16xi32>], vector<16xf32>,
        %mul3A_329 = arith.mulf %gather3A, %gather3A_328 : vector<16xf32>
        %mul3A_330 = arith.mulf %gather3A_326, %mul3A_329 : vector<16xf32>
        %add3A_331 = arith.addf %scan3A_322, %mul3A_330 : vector<16xf32>
        scf.yield %add3A_331 : vector<16xf32>
      }
      %scan3A_306 = arith.constant 64 : i32
      %mul3A_307 = vector.broadcast %squeeze3A : f32 to vector<16xf32>
      %mul3A_308 = arith.mulf %scan3A_305, %mul3A_307 : vector<16xf32>
      %add3A_309 = vector.broadcast %squeeze3A_5 : f32 to vector<16xf32>
      %add3A_310 = arith.addf %mul3A_308, %add3A_309 : vector<16xf32>
      %neg3A = arith.constant 0.000000e+00 : f32
      %neg3A_311 = vector.broadcast %neg3A : f32 to vector<16xf32>
      %neg3A_312 = arith.subf %neg3A_311, %add3A_310 : vector<16xf32>
      %exp3A = math.exp %neg3A_312 : vector<16xf32>
      %add3A_313 = arith.constant 1.000000e+00 : f32
      %add3A_314 = vector.broadcast %add3A_313 : f32 to vector<16xf32>
      %add3A_315 = arith.addf %add3A_314, %exp3A : vector<16xf32>
      %div3A = arith.constant 1.000000e+00 : f32
      %div3A_316 = vector.broadcast %div3A : f32 to vector<16xf32>
      %div3A_317 = arith.divf %div3A_316, %add3A_315 : vector<16xf32>
      %mul3A_318 = arith.constant 16 : i32
      %mul3A_319 = arith.muli %scan3A_279, %mul3A_318 : i32
      %swap3A = arith.index_cast %mul3A_319 : i32 to index
      %swap3A_320 = tpu.vector_load %arg14[%swap3A] {strides = array<i32>} : memref<512xf32, #tpu.memory_space<vmem>>, vector<16xf32>,
      tpu.vector_store %arg14[%swap3A], %div3A_317 {strides = array<i32>} : memref<512xf32, #tpu.memory_space<vmem>>, vector<16xf32>,
    }
    %scan3A_278 = arith.constant 16 : i32
    "tpu.region"() ({
      %run_scoped3A = tpu.sem_alloc : memref<!tpu.dma_semaphore, #tpu.memory_space<semaphore_mem>>
      %dma_start3A_279 = tpu.memref_slice %arg7[%mul3A_2] : memref<16384xf32, #tpu.memory_space<hbm>> -> memref<512xf32, #tpu.memory_space<hbm>>
      %dma_start3A_280 = tpu.memref_slice %arg7[%mul3A_2] : memref<16384xf32, #tpu.memory_space<hbm>> -> memref<512xf32, #tpu.memory_space<hbm>>
      tpu.enqueue_dma source(%arg14 : memref<512xf32, #tpu.memory_space<vmem>>) target(%dma_start3A_280 : memref<512xf32, #tpu.memory_space<hbm>>) target_semaphore(%run_scoped3A : memref<!tpu.dma_semaphore, #tpu.memory_space<semaphore_mem>>)
      %dma_wait3A_281 = tpu.memref_slice %arg7[%mul3A_2] : memref<16384xf32, #tpu.memory_space<hbm>> -> memref<512xf32, #tpu.memory_space<hbm>>
      %dma_wait3A_282 = tpu.memref_slice %arg7[%mul3A_2] : memref<16384xf32, #tpu.memory_space<hbm>> -> memref<512xf32, #tpu.memory_space<hbm>>
      tpu.wait_dma2 semaphore(%run_scoped3A : memref<!tpu.dma_semaphore, #tpu.memory_space<semaphore_mem>>) src(%arg14 : memref<512xf32, #tpu.memory_space<vmem>>) dst(%dma_wait3A_282 : memref<512xf32, #tpu.memory_space<hbm>>)
      tpu.yield
    }) : () -> ()
    return
  }
}

module attributes {stable_mosaic.version = 14 : i64} {
  func.func @_detile_body(%arg0: i32, %arg1: memref<64x512xf32, #tpu.memory_space<vmem>>, %arg2: memref<64x512xf32, #tpu.memory_space<vmem>>, %arg3: memref<512x128xf32, #tpu.memory_space<vmem>>) attributes {dimension_semantics = [#tpu.dimension_semantics<arbitrary>], iteration_bounds = array<i64: 977>, scalar_prefetch = 0 : i64, scratch_operands = 0 : i64, tpu.core_type = #tpu.core_type<tc>, window_params = [{transform_indices = @transform_0, window_bounds = array<i64: 64, 512>}, {transform_indices = @transform_1, window_bounds = array<i64: 64, 512>}, {transform_indices = @transform_2, window_bounds = array<i64: 512, 128>}]} {
    %get3A = arith.constant 0 : index
    %get3A_0 = arith.constant 0 : index
    %get3A_1 = vector.load %arg1[%get3A, %get3A_0] : memref<64x512xf32, #tpu.memory_space<vmem>>, vector<64x512xf32>
    %transpose3A = tpu.transpose %get3A_1, [1, 0] : vector<64x512xf32> -> vector<512x64xf32>
    %swap3A = arith.constant 0 : index
    %swap3A_2 = arith.constant 0 : index
    %swap3A_3 = vector.load %arg3[%swap3A, %swap3A_2] : memref<512x128xf32, #tpu.memory_space<vmem>>, vector<512x64xf32>
    tpu.vector_store %arg3[%swap3A, %swap3A_2], %transpose3A {strides = array<i32>} : memref<512x128xf32, #tpu.memory_space<vmem>>, vector<512x64xf32>,
    %get3A_4 = arith.constant 0 : index
    %get3A_5 = arith.constant 0 : index
    %get3A_6 = vector.load %arg2[%get3A_4, %get3A_5] : memref<64x512xf32, #tpu.memory_space<vmem>>, vector<64x512xf32>
    %transpose3A_7 = tpu.transpose %get3A_6, [1, 0] : vector<64x512xf32> -> vector<512x64xf32>
    %swap3A_8 = arith.constant 0 : index
    %swap3A_9 = arith.constant 64 : index
    %swap3A_10 = vector.load %arg3[%swap3A_8, %swap3A_9] : memref<512x128xf32, #tpu.memory_space<vmem>>, vector<512x64xf32>
    tpu.vector_store %arg3[%swap3A_8, %swap3A_9], %transpose3A_7 {strides = array<i32>} : memref<512x128xf32, #tpu.memory_space<vmem>>, vector<512x64xf32>,
    return
  }
  func.func @transform_0(%arg0: i32) -> (i32, i32) {
    %c0_i32 = arith.constant 0 : i32
    %c0_i32_0 = arith.constant 0 : i32
    return %c0_i32, %arg0 : i32, i32
  }
  func.func @transform_1(%arg0: i32) -> (i32, i32) {
    %add3A = arith.constant 977 : i32
    %add3A_0 = arith.addi %arg0, %add3A : i32
    %c0_i32 = arith.constant 0 : i32
    %c0_i32_1 = arith.constant 0 : i32
    return %c0_i32, %add3A_0 : i32, i32
  }
  func.func @transform_2(%arg0: i32) -> (i32, i32) {
    %c0_i32 = arith.constant 0 : i32
    %c0_i32_0 = arith.constant 0 : i32
    return %arg0, %c0_i32 : i32, i32
  }
}

</mosaic_0001>

<sc_bundles>
// kernel: kernel.5.cloned.1.call-start
scs
__scs_entry_jumppad:
0x0: {  	(pc) =	sbr.rel $0x88, $3  }
0x1: {  	(tag) =	ssettag $0x0;
	lr =	simm.s32 $0x1  }
0x2: {  	[smem:$0x3F9C] =	sst lr;
	_ =	strace $0xD0000000  }
0x3: {  	_ = 	snop  }
0x4: {  	_ = 	snop  }
0x5: {  	_ = 	snop  }
0x6: {  	_ = 	snop  }
0x7: {  	_ = 	snop  }
__scs_overlays_trampoline_lowered:
0x8: {  	[smem:$0x3FAB] =	sst s0  }
0x9: {  	[smem:$0x3FAC] =	sst s1  }
0xa: {  	[smem:$0x3FAD] =	sst s2  }
0xb: {  	[smem:$0x3FAE] =	sst s3  }
0xc: {  	[smem:$0x3FAF] =	sst s4  }
0xd: {  	[smem:$0x3FB0] =	sst s5  }
0xe: {  	[smem:$0x3FB1] =	sst s6  }
0xf: {  	[smem:$0x3FB2] =	sst s7  }
0x10: {  	[smem:$0x3FB3] =	sst s8  }
0x11: {  	[smem:$0x3FB4] =	sst s9;
	s0 =	simm.s32 @!p0 $0x0  }
0x12: {  	s1 =	sld [smem:$0x3F9A];
	s0 =	simm.s32 @p0 $0x1  }
0x13: {  	[smem:$0x3FB5] =	sst s0;
	s0 =	simm.s32 @!p1 $0x0  }
0x14: {  	s2 =	sld [smem:$0x3F99];
	s0 =	simm.s32 @p1 $0x1  }
0x15: {  	[smem:$0x3FB6] =	sst s0;
	s0 =	simm.s32 @!p2 $0x0  }
0x16: {  	s3 =	sld [smem:$0x3FDB];
	s0 =	simm.s32 @p2 $0x1  }
0x17: {  	s4 =	simm.s32 $0x1BF5;
	[smem:$0x3FB8] =	sst s0  }
0x18: {  	s0 =	sld [smem:$0x3F9B];
	_ =	swait.ge [sflag:s4], $0x0  }
0x19: {  	s7 =	sld [smem:$0x3F9C]  }
0x1a: {  	s8 =	sadd.s32 $0xFFFFE003, lr  }
0x1b: {  	s9 =	sadd.s32 $0xFFFFFEF7, lr;
	s5 =	simm.s32 $0xFFFFFFFF;
	p2 =	slt.u32 s8, $0xFFFFF086  }
0x1c: {  	p1 =	slt.u32 s9, $0xF7A;
	s5 =	simm.s32 @!p2 $0x0  }
0x1d: {  	s5 =	simm.s32 @p1 $0x1;
	p0 =	seq.s32 s7, s2  }
0x1e: {  	s7 =	smul.u32 @!p0 $0xF7A, s2;
	p2 =	seq.s32 @!p0 s5, $0x0  }
0x1f: {  	s9 =	smul.u32 $0xF7A, s1;
	s8 =	simm.s32 @!p0 $0x1BF5;
	p2 =	por !p2, p0  }
0x20: {  	[sflag:s8] =	ssyncset.s32 @!p0 $0xFFFFF086;
	s6 =	sadd.s32 @!p0 s3, s7;
	s7 =	simm.s32 @!p0 $0x108  }
0x21: {  	s3 =	sadd.s32 s3, s9;
	s6 =	sadd.s32 @!p0 $0x88, s6;
	s7 =	simm.s32 @p2 $0x1082  }
0x22: {  	[simem:s7], [sflag:s8] =	dma.local @!p0 [hbm:s6], $0xF7A  }
0x23: {  	s9 =	sor.u32 $0xD0000000, s2;
	s6 =	simm.s32 $0x108;
	_ =	swait.ge @!p0 [sflag:s8], $0x0  }
0x24: {  	s3 =	sadd.s32 $0x88, s3;
	s6 =	simm.s32 @!p1 $0x1082;
	[sflag:s4] =	ssyncset.s32 $0xFFFFF086  }
0x25: {  	[simem:s6], [sflag:s4] =	dma.local [hbm:s3], $0xF7A  }
0x26: {  	[smem:$0x3F9C] =	sst s1;
	(tag) =	ssettag s2;
	_ =	strace s9  }
0x27: {  	s1 =	sld [smem:$0x3FAC]  }
0x28: {  	s2 =	sld [smem:$0x3FAD]  }
0x29: {  	s4 =	sld [smem:$0x3FAF]  }
0x2a: {  	p0 =	seq.s32 s5, $0x0;
	s5 =	sld [smem:$0x3FB0]  }
0x2b: {  	s6 =	sld [smem:$0x3FB1]  }
0x2c: {  	s7 =	sld [smem:$0x3FB2]  }
0x2d: {  	s3 =	simm.s32 $0x108;
	s8 =	sld [smem:$0x3FB3]  }
0x2e: {  	s3 =	simm.s32 @!p0 $0x1082;
	s9 =	sld [smem:$0x3FB4]  }
0x2f: {  	lr =	sadd.s32 s0, s3;
	s0 =	sld [smem:$0x3FAB]  }
0x30: {  	s3 =	sld [smem:$0x3FAE]  }
0x31: {  	[smem:$0x3FB7] =	sst s10  }
0x32: {  	s10 =	sld [smem:$0x3FB5];
	_ =	sdelay $0x3  }
0x33: {  	p0 =	seq.s32 s10, $0x1;
	s10 =	sld [smem:$0x3FB7];
	_ =	sdelay $0x3  }
0x34: {  	[smem:$0x3FB7] =	sst s10  }
0x35: {  	s10 =	sld [smem:$0x3FB6];
	_ =	sdelay $0x3  }
0x36: {  	p1 =	seq.s32 s10, $0x1;
	s10 =	sld [smem:$0x3FB7];
	_ =	sdelay $0x3  }
0x37: {  	[smem:$0x3FB7] =	sst s10  }
0x38: {  	s10 =	sld [smem:$0x3FB8]  }
0x39: {  	_ = 	snop;
	(pc) =	sbr.ind lr, $3  }
0x3a: {  	_ = 	snop  }
0x3b: {  	_ = 	snop  }
0x3c: {  	p2 =	seq.s32 s10, $0x1;
	s10 =	sld [smem:$0x3FB7]  }
0x3d: {  	_ =	shalt  }
0x3e: {  	_ =	shalt  }
0x3f: {  	_ =	shalt  }
0x40: {  	_ =	shalt  }
0x41: {  	_ =	shalt  }
0x42: {  	_ =	shalt  }
0x43: {  	_ =	shalt  }
0x44: {  	_ =	shalt  }
0x45: {  	_ =	shalt  }
0x46: {  	_ =	shalt  }
0x47: {  	_ =	shalt  }
0x48: {  	_ =	shalt  }
0x49: {  	_ =	shalt  }
0x4a: {  	_ =	shalt  }
0x4b: {  	_ =	shalt  }
0x4c: {  	_ =	shalt  }
0x4d: {  	_ =	shalt  }
0x4e: {  	_ =	shalt  }
0x4f: {  	_ =	shalt  }
0x50: {  	_ =	shalt  }
0x51: {  	_ =	shalt  }
0x52: {  	_ =	shalt  }
0x53: {  	_ =	shalt  }
0x54: {  	_ =	shalt  }
0x55: {  	_ =	shalt  }
0x56: {  	_ =	shalt  }
0x57: {  	_ =	shalt  }
0x58: {  	_ =	shalt  }
0x59: {  	_ =	shalt  }
0x5a: {  	_ =	shalt  }
0x5b: {  	_ =	shalt  }
0x5c: {  	_ =	shalt  }
0x5d: {  	_ =	shalt  }
0x5e: {  	_ =	shalt  }
0x5f: {  	_ =	shalt  }
0x60: {  	_ =	shalt  }
0x61: {  	_ =	shalt  }
0x62: {  	_ =	shalt  }
0x63: {  	_ =	shalt  }
0x64: {  	_ =	shalt  }
0x65: {  	_ =	shalt  }
0x66: {  	_ =	shalt  }
0x67: {  	_ =	shalt  }
0x68: {  	_ =	shalt  }
0x69: {  	_ =	shalt  }
0x6a: {  	_ =	shalt  }
0x6b: {  	_ =	shalt  }
0x6c: {  	_ =	shalt  }
0x6d: {  	_ =	shalt  }
0x6e: {  	_ =	shalt  }
0x6f: {  	_ =	shalt  }
0x70: {  	_ =	shalt  }
0x71: {  	_ =	shalt  }
0x72: {  	_ =	shalt  }
0x73: {  	_ =	shalt  }
0x74: {  	_ =	shalt  }
0x75: {  	_ =	shalt  }
0x76: {  	_ =	shalt  }
0x77: {  	_ =	shalt  }
0x78: {  	_ =	shalt  }
0x79: {  	_ =	shalt  }
0x7a: {  	_ =	shalt  }
0x7b: {  	_ =	shalt  }
0x7c: {  	_ =	shalt  }
0x7d: {  	_ =	shalt  }
0x7e: {  	_ =	shalt  }
0x7f: {  	_ =	shalt  }
0x80: {  	_ =	shalt  }
0x81: {  	_ =	shalt  }
0x82: {  	_ =	shalt  }
0x83: {  	_ =	shalt  }
0x84: {  	_ =	shalt  }
0x85: {  	_ =	shalt  }
0x86: {  	_ =	shalt  }
0x87: {  	_ =	shalt  }
.Lfunc_end0:
.L_simem_size_0:
called_computation_lowered:
.L_overlay_start_0:
0x88: {  	s2 =	sld [smem:$0x3FD9]  }
0x89: {  	s3 =	sld [smem:$0x3FFE];
	_ =	sdelay $0x1  }
0x8a: {  	s1 =	srdreg.scid  }
0x8b: {  	s0 =	sand.u32 $0x1, s1  }
0x8c: {  	s17 =	sshll.u32 s0, $0xA;
	s2 =	sadd.s32 s3, s2  }
0x8d: {  	s2 =	sadd.s32 s2, s17  }
0x8e: {  	[smem:$0x3FC3] =	sst s2  }
0x8f: {  	_ = 	snop  }
0x90: {  	s2 =	sld [smem:$0x3FD0];
	(tm) =	ssettm $0x1  }
0x91: {  	s18 =	sld [smem:$0x3FFB];
	_ =	sdelay $0x3  }
0x92: {  	_ =	strace s18  }
0x93: {  	s3 =	sld [smem:$0x3FFC];
	_ =	sdelay $0x3  }
0x94: {  	_ =	strace s3  }
0x95: {  	s3 =	sld [smem:$0x3FFD];
	_ =	sdelay $0x3  }
0x96: {  	_ =	strace s3  }
0x97: {  	_ =	strace $0x8FFFFFFF  }
0x98: {  	s19 =	sld [smem:$0x3FDB];
	_ =	sdelay $0x1  }
0x99: {  	s4 =	simm.s32 $_scs_section_size  }
0x9a: {  	s5 =	simm.s32 $_size__tile_overlayer_lowered;
	s6 =	simm.s32 $_tile_overlayer_lowered  }
0x9b: {  	s22 =	simm.s32 $0x1BFF;
	s21 =	sshll.u32 s6, $0x1;
	s3 =	sadd.s32 s4, s19  }
0x9c: {  	s7 =	simm.s32 $0x0;
	s20 =	sshll.u32 s5, $0x1;
	s5 =	sadd.s32 s21, s3  }
0x9d: {  	[timem:s7], [sflag:s22] =	dma.local [hbm:s5], s20  }
0x9e: {  	_ =	swait.ge [sflag:s22], s20  }
0x9f: {  	s4 =	ssub.s32 $0x0, s20;
	[sflag:s22] =	ssyncset.done $0x0  }
0xa0: {  	[sflag:s22] =	ssyncadd.s32 s4;
	_ =	sdelay $0x1  }
0xa1: {  	s23 =	simm.s32 $0x1B8B  }
0xa2: {  	_ =	swait.ge [sflag:s23], $0x1  }
0xa3: {  	[sflag:s23] =	ssyncset.done $0x0  }
0xa4: {  	s25 =	simm.s32 $0x1B8E;
	s24 =	sld [smem:$0x3FFE];
	[sflag:s23] =	ssyncadd.s32 $0xFFFFFFFF  }
0xa5: {  	s26 =	simm.s32 $execute0_lowered;
	[smem:$0x3FD2] =	sst s25  }
0xa6: {  	s5 =	sshll.u32 s26, $0x1;
	_ =	strace $0x80000046;
	[dreg:$0x1] =	wrdreg $0xFFFFFFFF  }
0xa7: {  	s28 =	simm.s32 $_size_execute0_lowered;
	s3 =	sadd.s32 s3, s5;
	[dreg:$0x0] =	wrdreg $0x0  }
0xa8: {  	s5 =	sshll.u32 s28, $0x1;
	[dreg:$0x2] =	wrdreg s3  }
0xa9: {  	[dreg:$0x3] =	wrdreg s5  }
0xaa: {  	[dreg:$0x4] =	wrdreg $0xC0  }
0xab: {  	_ =	task [dreg:s7], $0x5FFFF  }
0xac: {  	[dreg:$0x1] =	wrdreg $0xFFFFFFFF  }
0xad: {  	[dreg:$0x0] =	wrdreg $0x60  }
0xae: {  	[dreg:$0x2] =	wrdreg s24  }
0xaf: {  	[dreg:$0x3] =	wrdreg s2  }
0xb0: {  	[dreg:$0x4] =	wrdreg $0x9  }
0xb1: {  	_ =	task.clear_ibuf [dreg:s7], $0x5FFFF;
	_ =	strace $0x90000046  }
0xb2: {  	s29 =	simm.s32 $0x9;
	_ =	strace $0x80000048  }
0xb3: {  	_ =	swait.ge [sflag:s29], $0x1  }
0xb4: {  	[sflag:s29] =	ssyncadd.s32 $0xFFFFFFFF  }
0xb5: {  	_ =	strace $0x90000048  }
0xb6: {  	_ =	sfence  }
0xb7: {  	s30 =	sld [smem:$0x0];
	_ =	sdelay $0x2  }
0xb8: {  	s31 =	sshll.u32 s1, $0xD;
	s1 =	sshrl.u32 s1, $0x2  }
0xb9: {  	s3 =	sand.u32 $0x4000, s31;
	s1 =	sadd.s32 s1, s30  }
0xba: {  	s0 =	sor.u32 s3, s0;
	s1 =	sshll.u32 s1, $0x11  }
0xbb: {  	s0 =	sor.u32 s1, s0  }
0xbc: {  	s0 =	sadd.s32 $0x8F2B, s0  }
0xbd: {  	[sflag:s0] =	ssyncadd.remote.s32 $0x1  }
0xbe: {  	_ =	sfence.sel $0xFFFF  }
0xbf: {  	[dreg:$0x0] =	wrdreg $0xFFFFFFFF;
	(pc) =	sbr.abs _section_cstart, $3  }
0xc0: {  	[dreg:$0x1] =	wrdreg $0xFFFFFFFF  }
0xc1: {  	_ =	task.clear_ibuf [dreg:s7], $0x2FFFF;
	_ =	strace $0x9FFFFFFF  }
0xc2: {  	(tm) =	ssettm $0x7FFFFFFF  }
0xc3: {  	_ =	shalt  }
tec
execute0_lowered:
.L_overlay_start_1:
0x0: {  	(tag) =	ssettag $0x1  }
0x1: {  	s0 =	srdreg.scid  }
0x2: {  	s2 =	stileid.u32;
	s1 =	rddreg [dreg:$0x0]  }
0x3: {  	s8 =	rddreg [dreg:$0x1];
	s13 =	simm.s32 $0x80;
	s14 =	simm.s32 $0x3600  }
0x4: {  	s16 =	simm.s32 $0xB600;
	s17 =	simm.s32 $0x400;
	s18 =	simm.s32 $0x13600  }
0x5: {  	s19 =	simm.s32 $0x7600;
	s20 =	simm.s32 $0x280;
	s21 =	simm.s32 $0xF600  }
0x6: {  	s22 =	simm.s32 $0x480;
	s23 =	simm.s32 $0x17600;
	s24 =	simm.s32 $0x1  }
0x7: {  	s25 =	simm.s32 $0x100;
	s28 =	simm.s32 $0x500;
	s29 =	simm.s32 $0x180  }
0x8: {  	s30 =	simm.s32 $0x380;
	s0 =	sand.u32 $0x1, s0;
	s2 =	sshll.u32 s2, $0x1  }
0x9: {  	s31 =	simm.s32 $0x580;
	s5 =	sadd.s32 $0xF52000, s1;
	s6 =	sor.u32 s0, s2  }
0xa: {  	s2 =	simm.s32 $0x0;
	s0 =	ssub.s32 $0x2, s0;
	s3 =	smul.u32 $0xC0, s6  }
0xb: {  	[smem:$0x7FF] =	sst s2;
	s4 =	smul.u32 $0x600, s6;
	s10 =	sshrl.u32 s0, $0x1  }
0xc: {  	s26 =	sshll.u32 s6, $0x6;
	_ =	strace $0x80000047;
	s0 =	ssub.s32 s0, s10  }
0xd: {  	s8 =	sadd.s32 s8, s26;
	s10 =	simm.s32 $0x2;
	s26 =	simm.s32 $0x300  }
0xe: {  	s7 =	sadd.s32 s3, s1;
	s9 =	sadd.s32 s4, s1;
	s3 =	sadd.s32 $0xE000, s1  }
0xf: {  	v0 =	vlaneseq.u32;
	s4 =	sadd.s32 $0x7B0000, s1;
	s1 =	simm.s32 $0x1B680;
	s6 =	sadd.s32 $0x800, s7  }
0x10: {  	v0 =	vmul.u32 $0x80, v0;
	s7 =	sadd.s32 $0x2000, s9;
	s9 =	smax.u32 s0, $0x1;
	s0 =	simm.s32 $0x0  }
.LBB2_1:
0x11: {  	[tilespmem:s2], [sflag:$0x2] =	stream.linear.gather [hbm4b:s6+s2], $0x600, $0x38;
	[tilespmem:$0x1B880] =	vst v63  }
0x12: {  	_ =	swait.ge [sflag:s10], $0x600  }
0x13: {  	[sflag:s10] =	ssyncset.done $0x0  }
0x14: {  	s11 =	simm.s32 $0x600;
	[sflag:s10] =	ssyncadd.s32 $0xFFFFFA00  }
0x15: {  	[tilespmem:s11], [sflag:$0x2] =	stream.linear.gather [hbm4b:s7+s2], $0x3000, $0x38;
	[tilespmem:$0x1B880] =	vst v63  }
0x16: {  	_ =	swait.ge [sflag:s10], $0x3000  }
0x17: {  	[sflag:s10] =	ssyncset.done $0x0  }
0x18: {  	s12 =	simm.s32 $0x1B600;
	[sflag:s10] =	ssyncadd.s32 $0xFFFFD000  }
0x19: {  	[tilespmem:s12], [sflag:$0x2] =	stream.linear.gather [hbm4b:s5+s2], $0x80, $0x38;
	[tilespmem:$0x1B880] =	vst v63  }
0x1a: {  	_ =	swait.ge [sflag:s10], $0x80  }
0x1b: {  	[sflag:s10] =	ssyncset.done $0x0  }
0x1c: {  	[sflag:s10] =	ssyncadd.s32 $0xFFFFFF80  }
0x1d: {  	v2 =	vld [tilespmem:$0x1B600];
	[tilespmem:s14], [sflag:$0x1] =	stream.indirect.gather [hbm4b:s3+s13], $0x80, s2, s13, $0xb8  }
0x1e: {  	s15 =	simm.s32 $0x200  }
0x1f: {  	[tilespmem:s16], [sflag:$0x1] =	stream.indirect.gather [hbm4b:s4+s13], $0x80, s15, s13, $0xb8;
	[tilespmem:$0x1B880] =	vst v63  }
0x20: {  	_ = 	snop  }
0x21: {  	[tilespmem:s18], [sflag:$0x1] =	stream.indirect.gather [hbm4b:s3+s13], $0x80, s17, s13, $0xb8;
	[tilespmem:$0x1B880] =	vst v63  }
0x22: {  	_ = 	snop  }
0x23: {  	[tilespmem:s19], [sflag:$0x1] =	stream.indirect.gather [hbm4b:s3+s13], $0x80, s13, s13, $0xb8;
	[tilespmem:$0x1B880] =	vst v63  }
0x24: {  	_ = 	snop  }
0x25: {  	[tilespmem:s21], [sflag:$0x1] =	stream.indirect.gather [hbm4b:s4+s13], $0x80, s20, s13, $0xb8;
	[tilespmem:$0x1B880] =	vst v63  }
0x26: {  	_ = 	snop  }
0x27: {  	[tilespmem:s23], [sflag:$0x1] =	stream.indirect.gather [hbm4b:s3+s13], $0x80, s22, s13, $0xb8;
	[tilespmem:$0x1B880] =	vst v63  }
0x28: {  	_ =	swait.ge [sflag:s24], $0x4000  }
0x29: {  	[sflag:s24] =	ssyncset.done $0x0  }
0x2a: {  	[sflag:s24] =	ssyncadd.s32 $0xFFFFC000  }
0x2b: {  	_ =	swait.ge [sflag:s24], $0x4000  }
0x2c: {  	[sflag:s24] =	ssyncset.done $0x0  }
0x2d: {  	[sflag:s24] =	ssyncadd.s32 $0xFFFFC000  }
0x2e: {  	_ =	swait.ge [sflag:s24], $0x4000  }
0x2f: {  	[sflag:s24] =	ssyncset.done $0x0  }
0x30: {  	[sflag:s24] =	ssyncadd.s32 $0xFFFFC000  }
0x31: {  	_ =	swait.ge [sflag:s24], $0x4000  }
0x32: {  	[sflag:s24] =	ssyncset.done $0x0  }
0x33: {  	[sflag:s24] =	ssyncadd.s32 $0xFFFFC000  }
0x34: {  	_ =	swait.ge [sflag:s24], $0x4000  }
0x35: {  	[sflag:s24] =	ssyncset.done $0x0  }
0x36: {  	[sflag:s24] =	ssyncadd.s32 $0xFFFFC000  }
0x37: {  	_ =	swait.ge [sflag:s24], $0x4000  }
0x38: {  	[sflag:s24] =	ssyncset.done $0x0  }
0x39: {  	s11 =	simm.s32 $0x0;
	v1 =	vbroadcast v2, $0x0;
	v2 =	vbroadcast v2, $0x1;
	[sflag:s24] =	ssyncadd.s32 $0xFFFFC000  }
.LBB2_2:
0x3a: {  	s12 =	sshll.u32 s11, $0x7  }
0x3b: {  	s12 =	sand.u32 $0x3FFFFF80, s12  }
0x3c: {  	v3 =	vld [tilespmem:s12+$0x600]  }
0x3d: {  	v4 =	vld [tilespmem:s12+$0x1600]  }
0x3e: {  	v5 =	vld [tilespmem:s12+$0x2600]  }
0x3f: {  	s12 =	sshll.u32 s11, $0x4  }
0x40: {  	v6 =	vmov s12  }
0x41: {  	s15 =	simm.s32 $0x0;
	v6 =	vshll.u32 v6, $0x7  }
0x42: {  	v6 =	vor.u32 v0, v6;
	v7 =	vadd.s32 s15, v3  }
0x43: {  	v8 =	vadd.s32 s15, v4;
	v9 =	vadd.s32 s15, v5;
	v10 =	vand.u32 $0xFFFFFF80, v7  }
0x44: {  	v7 =	vand.u32 $0x7F, v7;
	v11 =	vand.u32 $0xFFFFFF80, v9;
	v10 =	vadd.s32 v6, v10  }
0x45: {  	s15 =	simm.s32 $0x1;
	v9 =	vand.u32 $0x7F, v9;
	v7 =	vor.u32 v7, v10;
	v10 =	vadd.s32 v6, v11  }
0x46: {  	v12 =	vadd.s32 s15, v5;
	v11 =	vand.u32 $0xFFFFFF80, v8;
	v9 =	vor.u32 v9, v10  }
0x47: {  	v8 =	vand.u32 $0x7F, v8;
	v10 =	vadd.s32 v6, v11;
	v11 =	vadd.s32 s15, v3  }
0x48: {  	v13 =	vand.u32 $0xFFFFFF80, v12;
	v8 =	vor.u32 v8, v10;
	v10 =	vand.u32 $0xFFFFFF80, v11  }
0x49: {  	v12 =	vand.u32 $0x7F, v12;
	v11 =	vand.u32 $0x7F, v11;
	v10 =	vadd.s32 v6, v10  }
0x4a: {  	v10 =	vor.u32 v11, v10;
	v11 =	vadd.s32 v6, v13;
	v13 =	vadd.s32 s15, v4;
	v15 =	vld.idx.msk [tilespmem:v7+s14+$0x0], $0xffff  }
0x4b: {  	v12 =	vor.u32 v12, v11;
	v11 =	vand.u32 $0xFFFFFF80, v13;
	v17 =	vld.idx.msk [tilespmem:v9+s18+$0x0], $0xffff  }
0x4c: {  	s15 =	simm.s32 $0x2;
	v7 =	vimm.f32 $0.0e+00;
	v13 =	vand.u32 $0x7F, v13;
	v11 =	vadd.s32 v6, v11  }
0x4d: {  	v14 =	vadd.s32 s15, v3;
	v16 =	vadd.s32 s15, v5;
	v8 =	vld.idx.msk [tilespmem:v8+s16+$0x0], $0xffff;
	v11 =	vor.u32 v13, v11  }
0x4e: {  	v9 =	vadd.s32 s15, v4;
	v18 =	vand.u32 $0x7F, v14;
	v13 =	vand.u32 $0xFFFFFF80, v14  }
0x4f: {  	v19 =	vand.u32 $0xFFFFFF80, v16;
	v14 =	vand.u32 $0x7F, v16;
	v13 =	vadd.s32 v6, v13;
	v10 =	vld.idx.msk [tilespmem:v10+s14+$0x0], $0xffff  }
0x50: {  	s15 =	simm.s32 $0x3;
	v16 =	vadd.s32 v6, v19;
	v13 =	vor.u32 v18, v13;
	v12 =	vld.idx.msk [tilespmem:v12+s18+$0x0], $0xffff;
	v15 =	vmul.f32 v17, v15  }
.LBB2_3:
0x51: {  	v17 =	vadd.s32 s15, v4;
	v18 =	vand.u32 $0xFFFFFF80, v9;
	v19 =	vor.u32 v14, v16;
	p0 =	sne.s32 s15, $0x3F  }
.Ltmp0:
0x52: {  	v14 =	vand.u32 $0x7F, v9;
	v16 =	vadd.s32 v6, v18;
	v15 =	vmul.f32 v15, v8;
	v8 =	vld.idx.msk [tilespmem:v11+s16+$0x0], $0xffff;
	v9 =	vmovc v17;
	(pc) =	sbr.rel @p0 .LBB2_3-.Ltmp0, $4  }
0x53: {  	v20 =	vadd.s32 s15, v5;
	v17 =	vadd.s32 s15, v3;
	v11 =	vor.u32 v14, v16  }
0x54: {  	s15 =	sadd.s32 $0x1, s15;
	v14 =	vand.u32 $0xFFFFFF80, v17;
	v16 =	vand.u32 $0x7F, v17;
	v7 =	vadd.f32 v15, v7  }
0x55: {  	v17 =	vand.u32 $0xFFFFFF80, v20;
	v15 =	vadd.s32 v6, v14;
	v14 =	vand.u32 $0x7F, v20;
	v18 =	vmovc v10;
	v10 =	vld.idx.msk [tilespmem:v13+s14+$0x0], $0xffff  }
0x56: {  	v13 =	vor.u32 v16, v15;
	v16 =	vadd.s32 v6, v17;
	v15 =	vmul.f32 v12, v18;
	v12 =	vld.idx.msk [tilespmem:v19+s18+$0x0], $0xffff  }
0x57: {  	_ = 	snop  }
0x58: {  	v3 =	vand.u32 $0xFFFFFF80, v9;
	v4 =	vor.u32 v14, v16  }
0x59: {  	v5 =	vand.u32 $0x7F, v9;
	v3 =	vadd.s32 v6, v3  }
0x5a: {  	v3 =	vor.u32 v5, v3  }
0x5b: {  	v61 =	vld.idx.msk [tilespmem:v11+s16+$0x0], $0xffff  }
0x5c: {  	v62 =	vld.idx.msk [tilespmem:v13+s14+$0x0], $0xffff  }
0x5d: {  	v4 =	vld.idx.msk [tilespmem:v4+s18+$0x0], $0xffff;
	_ =	sdelay $0x1  }
0x5e: {  	v3 =	vld.idx.msk [tilespmem:v3+s16+$0x0], $0xffff  }
0x5f: {  	v8 =	vmul.f32 v15, v8;
	v63 =	vmul.f32 v12, v10;
	_ =	sdelay $0x1  }
0x60: {  	v7 =	vadd.f32 v8, v7;
	v5 =	vmul.f32 v63, v61;
	v4 =	vmul.f32 v4, v62;
	_ =	sdelay $0x1  }
0x61: {  	v5 =	vadd.f32 v5, v7;
	v3 =	vmul.f32 v4, v3;
	_ =	sdelay $0x1  }
0x62: {  	v3 =	vadd.f32 v3, v5;
	_ =	sdelay $0x1  }
0x63: {  	v3 =	vmul.f32 v3, v1;
	_ =	sdelay $0x1  }
0x64: {  	v3 =	vadd.f32 v3, v2;
	_ =	sdelay $0x1  }
0x65: {  	v3 =	vsub.f32 $0.0e+00, v3;
	_ =	sdelay $0x1  }
0x66: {  	v3 =	vmul.f32 $1.442695020e+00, v3;
	_ =	sdelay $0x1  }
0x67: {  	(erf) = vpow2.f32 v3;
	_ =	sdelay $0x8  }
0x68: {  	v3 =	vpop (erf)  }
0x69: {  	v3 =	vadd.f32 $1.000000000e+00, v3;
	_ =	sdelay $0x1  }
0x6a: {  	(erf) = vrcp.f32 v3;
	_ =	sdelay $0x3  }
0x6b: {  	s11 =	sadd.s32 $0x1, s11  }
0x6c: {  	p0 =	sne.s32 s11, $0x10  }
.Ltmp1:
0x6d: {  	_ = 	snop;
	(pc) =	sbr.rel @p0 .LBB2_2-.Ltmp1, $3  }
0x6e: {  	_ =	sdelay $0x1  }
0x6f: {  	v3 =	vpop (erf)  }
0x70: {  	[tilespmem:s12+$0x1B680] =	vst v3  }
0x71: {  	[tilespmem:s14], [sflag:$0x1] =	stream.indirect.gather [hbm4b:s3+s13], $0x80, s25, s13, $0xb8;
	[tilespmem:$0x1B880] =	vst v63  }
0x72: {  	_ = 	snop  }
0x73: {  	[tilespmem:s16], [sflag:$0x1] =	stream.indirect.gather [hbm4b:s4+s13], $0x80, s26, s13, $0xb8;
	[tilespmem:$0x1B880] =	vst v63  }
0x74: {  	_ = 	snop  }
0x75: {  	[tilespmem:s18], [sflag:$0x1] =	stream.indirect.gather [hbm4b:s3+s13], $0x80, s28, s13, $0xb8;
	[tilespmem:$0x1B880] =	vst v63  }
0x76: {  	_ = 	snop  }
0x77: {  	[tilespmem:s19], [sflag:$0x1] =	stream.indirect.gather [hbm4b:s3+s13], $0x80, s29, s13, $0xb8;
	[tilespmem:$0x1B880] =	vst v63  }
0x78: {  	_ = 	snop  }
0x79: {  	[tilespmem:s21], [sflag:$0x1] =	stream.indirect.gather [hbm4b:s4+s13], $0x80, s30, s13, $0xb8;
	[tilespmem:$0x1B880] =	vst v63  }
0x7a: {  	_ = 	snop  }
0x7b: {  	[tilespmem:s23], [sflag:$0x1] =	stream.indirect.gather [hbm4b:s3+s13], $0x80, s31, s13, $0xb8;
	[tilespmem:$0x1B880] =	vst v63  }
0x7c: {  	_ =	swait.ge [sflag:s24], $0x4000  }
0x7d: {  	[sflag:s24] =	ssyncset.done $0x0  }
0x7e: {  	[sflag:s24] =	ssyncadd.s32 $0xFFFFC000  }
0x7f: {  	_ =	swait.ge [sflag:s24], $0x4000  }
0x80: {  	[sflag:s24] =	ssyncset.done $0x0  }
0x81: {  	[sflag:s24] =	ssyncadd.s32 $0xFFFFC000  }
0x82: {  	_ =	swait.ge [sflag:s24], $0x4000  }
0x83: {  	[sflag:s24] =	ssyncset.done $0x0  }
0x84: {  	[sflag:s24] =	ssyncadd.s32 $0xFFFFC000  }
0x85: {  	_ =	swait.ge [sflag:s24], $0x4000  }
0x86: {  	[sflag:s24] =	ssyncset.done $0x0  }
0x87: {  	[sflag:s24] =	ssyncadd.s32 $0xFFFFC000  }
0x88: {  	_ =	swait.ge [sflag:s24], $0x4000  }
0x89: {  	[sflag:s24] =	ssyncset.done $0x0  }
0x8a: {  	[sflag:s24] =	ssyncadd.s32 $0xFFFFC000  }
0x8b: {  	_ =	swait.ge [sflag:s24], $0x4000  }
0x8c: {  	[sflag:s24] =	ssyncset.done $0x0  }
0x8d: {  	s11 =	simm.s32 $0x10;
	[sflag:s24] =	ssyncadd.s32 $0xFFFFC000  }
.LBB2_6:
0x8e: {  	s12 =	sshll.u32 s11, $0x7  }
0x8f: {  	s15 =	sand.u32 $0x3FFFFF80, s12  }
0x90: {  	v3 =	vld [tilespmem:s15+$0x600]  }
0x91: {  	v4 =	vld [tilespmem:s15+$0x1600]  }
0x92: {  	s12 =	sshll.u32 s11, $0x4;
	v5 =	vld [tilespmem:s15+$0x2600]  }
0x93: {  	s15 =	sadd.s32 $0xFFFFFF00, s12  }
0x94: {  	v6 =	vmov s15  }
0x95: {  	s15 =	simm.s32 $0x0;
	v6 =	vshll.u32 v6, $0x7  }
0x96: {  	v6 =	vor.u32 v0, v6;
	v7 =	vadd.s32 s15, v3  }
0x97: {  	v8 =	vadd.s32 s15, v4;
	v9 =	vadd.s32 s15, v5;
	v10 =	vand.u32 $0xFFFFFF80, v7  }
0x98: {  	v7 =	vand.u32 $0x7F, v7;
	v11 =	vand.u32 $0xFFFFFF80, v9;
	v10 =	vadd.s32 v6, v10  }
0x99: {  	s15 =	simm.s32 $0x1;
	v9 =	vand.u32 $0x7F, v9;
	v7 =	vor.u32 v7, v10;
	v10 =	vadd.s32 v6, v11  }
0x9a: {  	v12 =	vadd.s32 s15, v5;
	v11 =	vand.u32 $0xFFFFFF80, v8;
	v9 =	vor.u32 v9, v10  }
0x9b: {  	v8 =	vand.u32 $0x7F, v8;
	v10 =	vadd.s32 v6, v11;
	v11 =	vadd.s32 s15, v3  }
0x9c: {  	v13 =	vand.u32 $0xFFFFFF80, v12;
	v8 =	vor.u32 v8, v10;
	v10 =	vand.u32 $0xFFFFFF80, v11  }
0x9d: {  	v12 =	vand.u32 $0x7F, v12;
	v11 =	vand.u32 $0x7F, v11;
	v10 =	vadd.s32 v6, v10  }
0x9e: {  	v10 =	vor.u32 v11, v10;
	v11 =	vadd.s32 v6, v13;
	v13 =	vadd.s32 s15, v4;
	v15 =	vld.idx.msk [tilespmem:v7+s14+$0x0], $0xffff  }
0x9f: {  	v12 =	vor.u32 v12, v11;
	v11 =	vand.u32 $0xFFFFFF80, v13;
	v17 =	vld.idx.msk [tilespmem:v9+s18+$0x0], $0xffff  }
0xa0: {  	s15 =	simm.s32 $0x2;
	v7 =	vimm.f32 $0.0e+00;
	v13 =	vand.u32 $0x7F, v13;
	v11 =	vadd.s32 v6, v11  }
0xa1: {  	v14 =	vadd.s32 s15, v3;
	v16 =	vadd.s32 s15, v5;
	v8 =	vld.idx.msk [tilespmem:v8+s16+$0x0], $0xffff;
	v11 =	vor.u32 v13, v11  }
0xa2: {  	v9 =	vadd.s32 s15, v4;
	v18 =	vand.u32 $0x7F, v14;
	v13 =	vand.u32 $0xFFFFFF80, v14  }
0xa3: {  	v19 =	vand.u32 $0xFFFFFF80, v16;
	v14 =	vand.u32 $0x7F, v16;
	v13 =	vadd.s32 v6, v13;
	v10 =	vld.idx.msk [tilespmem:v10+s14+$0x0], $0xffff  }
0xa4: {  	s15 =	simm.s32 $0x3;
	v16 =	vadd.s32 v6, v19;
	v13 =	vor.u32 v18, v13;
	v12 =	vld.idx.msk [tilespmem:v12+s18+$0x0], $0xffff;
	v15 =	vmul.f32 v17, v15  }
.LBB2_7:
0xa5: {  	v17 =	vadd.s32 s15, v4;
	v18 =	vand.u32 $0xFFFFFF80, v9;
	v19 =	vor.u32 v14, v16;
	p0 =	sne.s32 s15, $0x3F  }
.Ltmp2:
0xa6: {  	v14 =	vand.u32 $0x7F, v9;
	v16 =	vadd.s32 v6, v18;
	v15 =	vmul.f32 v15, v8;
	v8 =	vld.idx.msk [tilespmem:v11+s16+$0x0], $0xffff;
	v9 =	vmovc v17;
	(pc) =	sbr.rel @p0 .LBB2_7-.Ltmp2, $4  }
0xa7: {  	v20 =	vadd.s32 s15, v5;
	v17 =	vadd.s32 s15, v3;
	v11 =	vor.u32 v14, v16  }
0xa8: {  	s15 =	sadd.s32 $0x1, s15;
	v14 =	vand.u32 $0xFFFFFF80, v17;
	v16 =	vand.u32 $0x7F, v17;
	v7 =	vadd.f32 v15, v7  }
0xa9: {  	v17 =	vand.u32 $0xFFFFFF80, v20;
	v15 =	vadd.s32 v6, v14;
	v14 =	vand.u32 $0x7F, v20;
	v18 =	vmovc v10;
	v10 =	vld.idx.msk [tilespmem:v13+s14+$0x0], $0xffff  }
0xaa: {  	v13 =	vor.u32 v16, v15;
	v16 =	vadd.s32 v6, v17;
	v15 =	vmul.f32 v12, v18;
	v12 =	vld.idx.msk [tilespmem:v19+s18+$0x0], $0xffff  }
0xab: {  	_ = 	snop  }
0xac: {  	v3 =	vand.u32 $0xFFFFFF80, v9;
	v4 =	vor.u32 v14, v16  }
0xad: {  	v5 =	vand.u32 $0x7F, v9;
	v3 =	vadd.s32 v6, v3  }
0xae: {  	v3 =	vor.u32 v5, v3  }
0xaf: {  	v61 =	vld.idx.msk [tilespmem:v11+s16+$0x0], $0xffff  }
0xb0: {  	v62 =	vld.idx.msk [tilespmem:v13+s14+$0x0], $0xffff  }
0xb1: {  	v4 =	vld.idx.msk [tilespmem:v4+s18+$0x0], $0xffff;
	_ =	sdelay $0x1  }
0xb2: {  	v3 =	vld.idx.msk [tilespmem:v3+s16+$0x0], $0xffff  }
0xb3: {  	v8 =	vmul.f32 v15, v8;
	v63 =	vmul.f32 v12, v10;
	_ =	sdelay $0x1  }
0xb4: {  	v7 =	vadd.f32 v8, v7;
	v5 =	vmul.f32 v63, v61;
	v4 =	vmul.f32 v4, v62;
	_ =	sdelay $0x1  }
0xb5: {  	v5 =	vadd.f32 v5, v7;
	v3 =	vmul.f32 v4, v3;
	_ =	sdelay $0x1  }
0xb6: {  	v3 =	vadd.f32 v3, v5;
	_ =	sdelay $0x1  }
0xb7: {  	v3 =	vmul.f32 v3, v1;
	_ =	sdelay $0x1  }
0xb8: {  	v3 =	vadd.f32 v3, v2;
	_ =	sdelay $0x1  }
0xb9: {  	v3 =	vsub.f32 $0.0e+00, v3;
	_ =	sdelay $0x1  }
0xba: {  	v3 =	vmul.f32 $1.442695020e+00, v3;
	_ =	sdelay $0x1  }
0xbb: {  	(erf) = vpow2.f32 v3;
	_ =	sdelay $0x8  }
0xbc: {  	v3 =	vpop (erf)  }
0xbd: {  	v3 =	vadd.f32 $1.000000000e+00, v3;
	_ =	sdelay $0x1  }
0xbe: {  	(erf) = vrcp.f32 v3;
	_ =	sdelay $0x3  }
0xbf: {  	s11 =	sadd.s32 $0x1, s11  }
0xc0: {  	p0 =	sne.s32 s11, $0x20  }
.Ltmp3:
0xc1: {  	_ = 	snop;
	(pc) =	sbr.rel @p0 .LBB2_6-.Ltmp3, $3  }
0xc2: {  	_ =	sdelay $0x1  }
0xc3: {  	s12 =	sand.u32 $0x3FFFFFF0, s12;
	v3 =	vpop (erf)  }
0xc4: {  	[tilespmem:s12+$0x1B680] =	vst v3  }
0xc5: {  	s0 =	sadd.s32 $0x1, s0  }
0xc6: {  	p0 =	sne.s32 s0, s9  }
.Ltmp4:
0xc7: {  	_ = 	snop;
	(pc) =	sbr.rel @p0 .LBB2_1-.Ltmp4, $4  }
0xc8: {  	[hbm4b:s8+s2] =	stream.linear.scatter [tilespmem:s1], [sflag:$0x2], $0x200, $0x38;
	[tilespmem:$0x1B880] =	vst v63  }
0xc9: {  	_ =	swait.ge [sflag:s10], $0x200  }
0xca: {  	[sflag:s10] =	ssyncset.done $0x0  }
0xcb: {  	[sflag:s10] =	ssyncadd.s32 $0xFFFFFE00  }
0xcc: {  	_ =	sfence.sel $0x180000  }
0xcd: {  	[bflag:$0x0] =	sbarrier.arrive $0xFFFF  }
0xce: {  	_ =	strace $0x90000047  }
0xcf: {  	s0 =	stileid.u32;
	[bflag:$0x2] =	sbarrier.arrive $0xFFFF  }
0xd0: {  	p0 =	sne.s32 s0, $0x0;
	s0 =	rddreg [dreg:$0x2]  }
0xd1: {  	s0 =	sadd.s32 @!p0 $0x100000, s0  }
0xd2: {  	[sflag:s0] =	ssyncadd.tile.s32 @!p0 $0x1;
	_ =	shalt  }
.Lfunc_end2:
_tile_overlayer_lowered:
.L_overlay_start_2:
0xd3: {  	(tag) =	ssettag $0x2  }
0xd4: {  	s0 =	rddreg [dreg:$0x0];
	s2 =	stileid.u32  }
0xd5: {  	s1 =	rddreg [dreg:$0x1];
	p0 =	sne.s32 s2, $0x0  }
0xd6: {  	s3 =	rddreg [dreg:$0x2];
	[bflag:$0x3] =	sbarrier.arrive $0xFFFF;
	s2 =	simm.s32 @!p0 $0x1C02  }
0xd7: {  	[timem:s3], [sflag:s2] =	dma.local @!p0 [hbm:s0], s1  }
0xd8: {  	s0 =	simm.s32 @!p0 $0x2  }
0xd9: {  	_ =	swait.ge @!p0 [sflag:s0], s1  }
0xda: {  	s1 =	ssub.s32 @!p0 $0x0, s1;
	[sflag:s0] =	ssyncset.done @!p0 $0x0  }
0xdb: {  	[sflag:s0] =	ssyncadd.s32 @!p0 s1  }
0xdc: {  	[bflag:$0x3] =	sbarrier.arrive $0xFFFF  }
0xdd: {  	_ =	shalt  }

</sc_bundles>
